<compile_context>
chip_gen: v7x
topology: tpu7x:2x2x1
jax: 0.10.2.dev20260603
libtpu: 0.0.44.dev20260713+nightly
codegen_flags: <defaults>
</compile_context>

<pallas_src>
import functools

import jax
import jax.numpy as jnp
from jax import lax
from jax.experimental import pallas as pl
from jax.experimental.pallas import tpu as pltpu
from jax.experimental.pallas import tpu_sc as plsc

MAX_LEN = 2048
BATCH = 16
NUM_AA = 21
NUM_CORES = 2
NUM_SUBCORES = 16
B_HALF = BATCH // 2
T_CHUNK = 128
N_TCHUNK = MAX_LEN // T_CHUNK

_mesh = plsc.VectorSubcoreMesh(core_axis_name="c", subcore_axis_name="s")


@functools.partial(
    pl.kernel,
    mesh=_mesh,
    out_type=jax.ShapeDtypeStruct((NUM_AA, BATCH, MAX_LEN), jnp.float32),
    scratch_types=[
        pltpu.VMEM((T_CHUNK, BATCH), jnp.int32),
        pltpu.VMEM((BATCH,), jnp.int32),
        pltpu.VMEM((NUM_AA, B_HALF, T_CHUNK), jnp.float32),
        pltpu.SemaphoreType.DMA,
    ],
    compiler_params=pltpu.CompilerParams(needs_layout_passes=False),
)
def _onehot_sc(data_hbm, len_hbm, out_hbm, data_v, len_v, out_v, sem):
    wid = lax.axis_index("s") * NUM_CORES + lax.axis_index("c")
    h = wid % 2
    tc = wid // 2
    t1 = tc * T_CHUNK
    b0 = h * B_HALF
    cp_data = pltpu.async_copy(data_hbm.at[pl.ds(t1, T_CHUNK)], data_v, sem)
    cp_len = pltpu.async_copy(len_hbm, len_v, sem)

    lanes = lax.iota(jnp.int32, 16)
    zero16 = jnp.zeros((16,), jnp.float32)
    one16 = jnp.ones((16,), jnp.float32)

    def zero_body(a, carry):
        for b in range(B_HALF):
            for j in range(T_CHUNK // 16):
                out_v[a, b, pl.ds(j * 16, 16)] = zero16
        return carry

    lax.fori_loop(0, NUM_AA, zero_body, 0)
    cp_data.wait()
    cp_len.wait()

    bloc = lanes & 7
    bvec = bloc + b0
    sel8 = lanes >> 3
    lens_g = plsc.load_gather(len_v, [bvec])

    def body(i, carry):
        for u in range(2):
            tvec = jnp.full((16,), 4 * i + 2 * u, jnp.int32) + sel8
            row = plsc.load_gather(data_v, [tvec, bvec])
            mask = (t1 + tvec) < lens_g
            plsc.store_scatter(out_v, [row, bloc, tvec], one16, mask=mask)
        return carry

    lax.fori_loop(0, T_CHUNK // 4, body, 0)
    pltpu.sync_copy(out_v, out_hbm.at[:, pl.ds(b0, B_HALF), pl.ds(t1, T_CHUNK)])


def kernel(data, lengths, embed_init):
    del embed_init
    out = _onehot_sc(data, lengths)
    return jnp.transpose(out, (2, 1, 0))

# --- scband reference (transcript-rebuilt; emitter-appended) ---
"""Pipeline reference for scband-base-model-30940944400747 (READ-ONLY COPY).

The authoritative reference and input builder live on the scoring server;
editing this copy changes nothing except your own understanding.
"""

import jax, jax.numpy as jnp
import numpy as np

MAX_LEN = 2048
BATCH = 16
NUM_AA = 21


def setup_inputs(seed: int = 0) -> dict:
    key = jax.random.key(seed)
    k1, k2 = jax.random.split(key)
    # padded amino-acid index tensor, layout [max_len, batch] (time-major, as produced
    # by pad_packed_sequence(pack_sequence(...)) in the torch code)
    data = jax.random.randint(k1, (MAX_LEN, BATCH), 0, NUM_AA).astype(jnp.int32)
    # descending lengths (pack_sequence requires sequences sorted longest-first)
    lengths = jnp.sort(jax.random.randint(k2, (BATCH,), 1, MAX_LEN + 1))[::-1].astype(jnp.int32)
    # the zero tensor that torch scatter_'s into (embed_tensor)
    embed_init = jnp.zeros((MAX_LEN, NUM_AA, BATCH), dtype=jnp.float32)
    return {"data": data, "lengths": lengths, "embed_init": embed_init}


def reference(data, lengths, embed_init):
    # torch: embed_tensor.scatter_(1, data.unsqueeze(1), 1)  -> one-hot along dim 1
    max_len, batch = data.shape
    rows = jnp.arange(max_len)[:, None]     # [max_len, 1]
    cols = jnp.arange(batch)[None, :]       # [1, batch]
    embed = embed_init.at[rows, data, cols].set(1.0)   # [max_len, 21, batch]
    # torch: .transpose(1, 2) -> [max_len, batch, 21]
    seqs = jnp.transpose(embed, (0, 2, 1))
    # torch: pack_padded_sequence zeroes out / drops padded positions; emulate by masking
    mask = (jnp.arange(max_len)[:, None] < lengths[None, :]).astype(seqs.dtype)  # [max_len, batch]
    return seqs * mask[:, :, None]

if __name__ == "__main__":
    import jax
    _d = setup_inputs()
    print(jax.jit(kernel)(*tuple(_d.values())))

</pallas_src>

<mosaic_0001>
#map = affine_map<(d0, d1) -> (0, 0)>
#map1 = affine_map<(d0, d1) -> (0)>
#map2 = affine_map<(d0, d1) -> (0, 0, 0)>
module attributes {stable_mosaic.version = 14 : i64} {
  func.func @_onehot_sc(%arg0: i32, %arg1: i32, %arg2: memref<2048x16xi32, #tpu.memory_space<hbm>>, %arg3: memref<16xi32, #tpu.memory_space<hbm>>, %arg4: memref<21x16x2048xf32, #tpu.memory_space<hbm>>, %arg5: memref<128x16xi32, #tpu.memory_space<vmem>>, %arg6: memref<16xi32, #tpu.memory_space<vmem>>, %arg7: memref<21x8x128xf32, #tpu.memory_space<vmem>>, %arg8: memref<!tpu.dma_semaphore, #tpu.memory_space<semaphore_mem>>) attributes {dimension_semantics = [#tpu.dimension_semantics<core_parallel>, #tpu.dimension_semantics<subcore_parallel>], iteration_bounds = array<i64: 2, 16>, scalar_prefetch = 0 : i64, scratch_operands = 4 : i64, tpu.core_type = #tpu.core_type<sc_vector_subcore>, window_params = [{transform_indices = #map}, {transform_indices = #map1}, {transform_indices = #map2}]} {
    %mul3A = arith.constant 2 : i32
    %mul3A_0 = arith.muli %arg1, %mul3A : i32
    %add3A = arith.addi %mul3A_0, %arg0 : i32
    %jit3A = arith.constant 2 : i32
    %eq3A = arith.constant 0 : i32
    %eq3A_1 = arith.cmpi eq, %jit3A, %eq3A : i32
    %jit3A_2 = arith.constant 1 : i32
    %select_n3A = arith.select %eq3A_1, %jit3A_2, %jit3A : i32
    %rem3A = arith.remsi %add3A, %select_n3A : i32
    %ne3A = arith.constant 0 : i32
    %ne3A_3 = arith.cmpi ne, %rem3A, %ne3A : i32
    %lt3A = arith.constant 0 : i32
    %lt3A_4 = arith.cmpi slt, %rem3A, %lt3A : i32
    %lt3A_5 = arith.constant 0 : i32
    %lt3A_6 = arith.cmpi slt, %select_n3A, %lt3A_5 : i32
    %ne3A_7 = arith.xori %lt3A_4, %lt3A_6 : i1
    %and3A = arith.andi %ne3A_7, %ne3A_3 : i1
    %add3A_8 = arith.addi %rem3A, %select_n3A : i32
    %select_n3A_9 = arith.select %and3A, %add3A_8, %rem3A : i32
    %jit3A_10 = arith.constant 2 : i32
    %div3A = arith.divsi %add3A, %jit3A_10 : i32
    %sign3A = arith.constant 0 : i32
    %sign3A_11 = arith.cmpi sgt, %add3A, %sign3A : i32
    %sign3A_12 = arith.extui %sign3A_11 : i1 to i32
    %sign3A_13 = arith.constant 0 : i32
    %sign3A_14 = arith.cmpi slt, %add3A, %sign3A_13 : i32
    %sign3A_15 = arith.extui %sign3A_14 : i1 to i32
    %sign3A_16 = arith.subi %sign3A_12, %sign3A_15 : i32
    %sign3A_17 = arith.constant 0 : i32
    %sign3A_18 = arith.cmpi sgt, %jit3A_10, %sign3A_17 : i32
    %sign3A_19 = arith.extui %sign3A_18 : i1 to i32
    %sign3A_20 = arith.constant 0 : i32
    %sign3A_21 = arith.cmpi slt, %jit3A_10, %sign3A_20 : i32
    %sign3A_22 = arith.extui %sign3A_21 : i1 to i32
    %sign3A_23 = arith.subi %sign3A_19, %sign3A_22 : i32
    %ne3A_24 = arith.cmpi ne, %sign3A_16, %sign3A_23 : i32
    %rem3A_25 = arith.remsi %add3A, %jit3A_10 : i32
    %ne3A_26 = arith.constant 0 : i32
    %ne3A_27 = arith.cmpi ne, %rem3A_25, %ne3A_26 : i32
    %and3A_28 = arith.andi %ne3A_24, %ne3A_27 : i1
    %sub3A = arith.constant 1 : i32
    %sub3A_29 = arith.subi %div3A, %sub3A : i32
    %select_n3A_30 = arith.select %and3A_28, %sub3A_29, %div3A : i32
    %mul3A_31 = arith.constant 128 : i32
    %mul3A_32 = arith.muli %select_n3A_30, %mul3A_31 : i32
    %mul3A_33 = arith.constant 8 : i32
    %mul3A_34 = arith.muli %select_n3A_9, %mul3A_33 : i32
    %dma_start3A = arith.constant 0 : i32
    %dma_start3A_35 = tpu.memref_slice %arg2[%mul3A_32, %dma_start3A] : memref<2048x16xi32, #tpu.memory_space<hbm>> -> memref<128x16xi32, #tpu.memory_space<hbm>>
    %dma_start3A_36 = arith.constant 0 : i32
    %dma_start3A_37 = tpu.memref_slice %arg2[%mul3A_32, %dma_start3A_36] : memref<2048x16xi32, #tpu.memory_space<hbm>> -> memref<128x16xi32, #tpu.memory_space<hbm>>
    tpu.enqueue_dma source(%dma_start3A_37 : memref<128x16xi32, #tpu.memory_space<hbm>>) target(%arg5 : memref<128x16xi32, #tpu.memory_space<vmem>>) target_semaphore(%arg8 : memref<!tpu.dma_semaphore, #tpu.memory_space<semaphore_mem>>)
    tpu.enqueue_dma source(%arg3 : memref<16xi32, #tpu.memory_space<hbm>>) target(%arg6 : memref<16xi32, #tpu.memory_space<vmem>>) target_semaphore(%arg8 : memref<!tpu.dma_semaphore, #tpu.memory_space<semaphore_mem>>)
    %iota3A = tpu.iota {dimensions = array<i32: 0>} : vector<16xi32>
    %broadcast_in_dim3A = arith.constant 0.000000e+00 : f32
    %broadcast_in_dim3A_38 = vector.broadcast %broadcast_in_dim3A : f32 to vector<16xf32>
    %broadcast_in_dim3A_39 = arith.constant 1.000000e+00 : f32
    %broadcast_in_dim3A_40 = vector.broadcast %broadcast_in_dim3A_39 : f32 to vector<16xf32>
    %scan3A = arith.constant 0 : i32
    %scan3A_41 = arith.constant 0 : i32
    %scan3A_42 = arith.constant 21 : i32
    %scan3A_43 = arith.addi %scan3A_41, %scan3A_42 : i32
    %scan3A_44 = arith.constant 1 : i32
    scf.for %scan3A_62 = %scan3A_41 to %scan3A_43 step %scan3A_44  : i32 {
      %swap3A = arith.constant 0 : i32
      %swap3A_63 = arith.index_cast %scan3A_62 : i32 to index
      %swap3A_64 = arith.index_cast %swap3A : i32 to index
      %swap3A_65 = arith.constant 0 : index
      %swap3A_66 = tpu.vector_load %arg7[%swap3A_63, %swap3A_64, %swap3A_65] {strides = array<i32>} : memref<21x8x128xf32, #tpu.memory_space<vmem>>, vector<16xf32>,
      tpu.vector_store %arg7[%swap3A_63, %swap3A_64, %swap3A_65], %broadcast_in_dim3A_38 {strides = array<i32>} : memref<21x8x128xf32, #tpu.memory_space<vmem>>, vector<16xf32>,
      %swap3A_67 = arith.constant 0 : i32
      %swap3A_68 = arith.index_cast %scan3A_62 : i32 to index
      %swap3A_69 = arith.index_cast %swap3A_67 : i32 to index
      %swap3A_70 = arith.constant 16 : index
      %swap3A_71 = tpu.vector_load %arg7[%swap3A_68, %swap3A_69, %swap3A_70] {strides = array<i32>} : memref<21x8x128xf32, #tpu.memory_space<vmem>>, vector<16xf32>,
      tpu.vector_store %arg7[%swap3A_68, %swap3A_69, %swap3A_70], %broadcast_in_dim3A_38 {strides = array<i32>} : memref<21x8x128xf32, #tpu.memory_space<vmem>>, vector<16xf32>,
      %swap3A_72 = arith.constant 0 : i32
      %swap3A_73 = arith.index_cast %scan3A_62 : i32 to index
      %swap3A_74 = arith.index_cast %swap3A_72 : i32 to index
      %swap3A_75 = arith.constant 32 : index
      %swap3A_76 = tpu.vector_load %arg7[%swap3A_73, %swap3A_74, %swap3A_75] {strides = array<i32>} : memref<21x8x128xf32, #tpu.memory_space<vmem>>, vector<16xf32>,
      tpu.vector_store %arg7[%swap3A_73, %swap3A_74, %swap3A_75], %broadcast_in_dim3A_38 {strides = array<i32>} : memref<21x8x128xf32, #tpu.memory_space<vmem>>, vector<16xf32>,
      %swap3A_77 = arith.constant 0 : i32
      %swap3A_78 = arith.index_cast %scan3A_62 : i32 to index
      %swap3A_79 = arith.index_cast %swap3A_77 : i32 to index
      %swap3A_80 = arith.constant 48 : index
      %swap3A_81 = tpu.vector_load %arg7[%swap3A_78, %swap3A_79, %swap3A_80] {strides = array<i32>} : memref<21x8x128xf32, #tpu.memory_space<vmem>>, vector<16xf32>,
      tpu.vector_store %arg7[%swap3A_78, %swap3A_79, %swap3A_80], %broadcast_in_dim3A_38 {strides = array<i32>} : memref<21x8x128xf32, #tpu.memory_space<vmem>>, vector<16xf32>,
      %swap3A_82 = arith.constant 0 : i32
      %swap3A_83 = arith.index_cast %scan3A_62 : i32 to index
      %swap3A_84 = arith.index_cast %swap3A_82 : i32 to index
      %swap3A_85 = arith.constant 64 : index
      %swap3A_86 = tpu.vector_load %arg7[%swap3A_83, %swap3A_84, %swap3A_85] {strides = array<i32>} : memref<21x8x128xf32, #tpu.memory_space<vmem>>, vector<16xf32>,
      tpu.vector_store %arg7[%swap3A_83, %swap3A_84, %swap3A_85], %broadcast_in_dim3A_38 {strides = array<i32>} : memref<21x8x128xf32, #tpu.memory_space<vmem>>, vector<16xf32>,
      %swap3A_87 = arith.constant 0 : i32
      %swap3A_88 = arith.index_cast %scan3A_62 : i32 to index
      %swap3A_89 = arith.index_cast %swap3A_87 : i32 to index
      %swap3A_90 = arith.constant 80 : index
      %swap3A_91 = tpu.vector_load %arg7[%swap3A_88, %swap3A_89, %swap3A_90] {strides = array<i32>} : memref<21x8x128xf32, #tpu.memory_space<vmem>>, vector<16xf32>,
      tpu.vector_store %arg7[%swap3A_88, %swap3A_89, %swap3A_90], %broadcast_in_dim3A_38 {strides = array<i32>} : memref<21x8x128xf32, #tpu.memory_space<vmem>>, vector<16xf32>,
      %swap3A_92 = arith.constant 0 : i32
      %swap3A_93 = arith.index_cast %scan3A_62 : i32 to index
      %swap3A_94 = arith.index_cast %swap3A_92 : i32 to index
      %swap3A_95 = arith.constant 96 : index
      %swap3A_96 = tpu.vector_load %arg7[%swap3A_93, %swap3A_94, %swap3A_95] {strides = array<i32>} : memref<21x8x128xf32, #tpu.memory_space<vmem>>, vector<16xf32>,
      tpu.vector_store %arg7[%swap3A_93, %swap3A_94, %swap3A_95], %broadcast_in_dim3A_38 {strides = array<i32>} : memref<21x8x128xf32, #tpu.memory_space<vmem>>, vector<16xf32>,
      %swap3A_97 = arith.constant 0 : i32
      %swap3A_98 = arith.index_cast %scan3A_62 : i32 to index
      %swap3A_99 = arith.index_cast %swap3A_97 : i32 to index
      %swap3A_100 = arith.constant 112 : index
      %swap3A_101 = tpu.vector_load %arg7[%swap3A_98, %swap3A_99, %swap3A_100] {strides = array<i32>} : memref<21x8x128xf32, #tpu.memory_space<vmem>>, vector<16xf32>,
      tpu.vector_store %arg7[%swap3A_98, %swap3A_99, %swap3A_100], %broadcast_in_dim3A_38 {strides = array<i32>} : memref<21x8x128xf32, #tpu.memory_space<vmem>>, vector<16xf32>,
      %swap3A_102 = arith.constant 1 : i32
      %swap3A_103 = arith.index_cast %scan3A_62 : i32 to index
      %swap3A_104 = arith.index_cast %swap3A_102 : i32 to index
      %swap3A_105 = arith.constant 0 : index
      %swap3A_106 = tpu.vector_load %arg7[%swap3A_103, %swap3A_104, %swap3A_105] {strides = array<i32>} : memref<21x8x128xf32, #tpu.memory_space<vmem>>, vector<16xf32>,
      tpu.vector_store %arg7[%swap3A_103, %swap3A_104, %swap3A_105], %broadcast_in_dim3A_38 {strides = array<i32>} : memref<21x8x128xf32, #tpu.memory_space<vmem>>, vector<16xf32>,
      %swap3A_107 = arith.constant 1 : i32
      %swap3A_108 = arith.index_cast %scan3A_62 : i32 to index
      %swap3A_109 = arith.index_cast %swap3A_107 : i32 to index
      %swap3A_110 = arith.constant 16 : index
      %swap3A_111 = tpu.vector_load %arg7[%swap3A_108, %swap3A_109, %swap3A_110] {strides = array<i32>} : memref<21x8x128xf32, #tpu.memory_space<vmem>>, vector<16xf32>,
      tpu.vector_store %arg7[%swap3A_108, %swap3A_109, %swap3A_110], %broadcast_in_dim3A_38 {strides = array<i32>} : memref<21x8x128xf32, #tpu.memory_space<vmem>>, vector<16xf32>,
      %swap3A_112 = arith.constant 1 : i32
      %swap3A_113 = arith.index_cast %scan3A_62 : i32 to index
      %swap3A_114 = arith.index_cast %swap3A_112 : i32 to index
      %swap3A_115 = arith.constant 32 : index
      %swap3A_116 = tpu.vector_load %arg7[%swap3A_113, %swap3A_114, %swap3A_115] {strides = array<i32>} : memref<21x8x128xf32, #tpu.memory_space<vmem>>, vector<16xf32>,
      tpu.vector_store %arg7[%swap3A_113, %swap3A_114, %swap3A_115], %broadcast_in_dim3A_38 {strides = array<i32>} : memref<21x8x128xf32, #tpu.memory_space<vmem>>, vector<16xf32>,
      %swap3A_117 = arith.constant 1 : i32
      %swap3A_118 = arith.index_cast %scan3A_62 : i32 to index
      %swap3A_119 = arith.index_cast %swap3A_117 : i32 to index
      %swap3A_120 = arith.constant 48 : index
      %swap3A_121 = tpu.vector_load %arg7[%swap3A_118, %swap3A_119, %swap3A_120] {strides = array<i32>} : memref<21x8x128xf32, #tpu.memory_space<vmem>>, vector<16xf32>,
      tpu.vector_store %arg7[%swap3A_118, %swap3A_119, %swap3A_120], %broadcast_in_dim3A_38 {strides = array<i32>} : memref<21x8x128xf32, #tpu.memory_space<vmem>>, vector<16xf32>,
      %swap3A_122 = arith.constant 1 : i32
      %swap3A_123 = arith.index_cast %scan3A_62 : i32 to index
      %swap3A_124 = arith.index_cast %swap3A_122 : i32 to index
      %swap3A_125 = arith.constant 64 : index
      %swap3A_126 = tpu.vector_load %arg7[%swap3A_123, %swap3A_124, %swap3A_125] {strides = array<i32>} : memref<21x8x128xf32, #tpu.memory_space<vmem>>, vector<16xf32>,
      tpu.vector_store %arg7[%swap3A_123, %swap3A_124, %swap3A_125], %broadcast_in_dim3A_38 {strides = array<i32>} : memref<21x8x128xf32, #tpu.memory_space<vmem>>, vector<16xf32>,
      %swap3A_127 = arith.constant 1 : i32
      %swap3A_128 = arith.index_cast %scan3A_62 : i32 to index
      %swap3A_129 = arith.index_cast %swap3A_127 : i32 to index
      %swap3A_130 = arith.constant 80 : index
      %swap3A_131 = tpu.vector_load %arg7[%swap3A_128, %swap3A_129, %swap3A_130] {strides = array<i32>} : memref<21x8x128xf32, #tpu.memory_space<vmem>>, vector<16xf32>,
      tpu.vector_store %arg7[%swap3A_128, %swap3A_129, %swap3A_130], %broadcast_in_dim3A_38 {strides = array<i32>} : memref<21x8x128xf32, #tpu.memory_space<vmem>>, vector<16xf32>,
      %swap3A_132 = arith.constant 1 : i32
      %swap3A_133 = arith.index_cast %scan3A_62 : i32 to index
      %swap3A_134 = arith.index_cast %swap3A_132 : i32 to index
      %swap3A_135 = arith.constant 96 : index
      %swap3A_136 = tpu.vector_load %arg7[%swap3A_133, %swap3A_134, %swap3A_135] {strides = array<i32>} : memref<21x8x128xf32, #tpu.memory_space<vmem>>, vector<16xf32>,
      tpu.vector_store %arg7[%swap3A_133, %swap3A_134, %swap3A_135], %broadcast_in_dim3A_38 {strides = array<i32>} : memref<21x8x128xf32, #tpu.memory_space<vmem>>, vector<16xf32>,
      %swap3A_137 = arith.constant 1 : i32
      %swap3A_138 = arith.index_cast %scan3A_62 : i32 to index
      %swap3A_139 = arith.index_cast %swap3A_137 : i32 to index
      %swap3A_140 = arith.constant 112 : index
      %swap3A_141 = tpu.vector_load %arg7[%swap3A_138, %swap3A_139, %swap3A_140] {strides = array<i32>} : memref<21x8x128xf32, #tpu.memory_space<vmem>>, vector<16xf32>,
      tpu.vector_store %arg7[%swap3A_138, %swap3A_139, %swap3A_140], %broadcast_in_dim3A_38 {strides = array<i32>} : memref<21x8x128xf32, #tpu.memory_space<vmem>>, vector<16xf32>,
      %swap3A_142 = arith.constant 2 : i32
      %swap3A_143 = arith.index_cast %scan3A_62 : i32 to index
      %swap3A_144 = arith.index_cast %swap3A_142 : i32 to index
      %swap3A_145 = arith.constant 0 : index
      %swap3A_146 = tpu.vector_load %arg7[%swap3A_143, %swap3A_144, %swap3A_145] {strides = array<i32>} : memref<21x8x128xf32, #tpu.memory_space<vmem>>, vector<16xf32>,
      tpu.vector_store %arg7[%swap3A_143, %swap3A_144, %swap3A_145], %broadcast_in_dim3A_38 {strides = array<i32>} : memref<21x8x128xf32, #tpu.memory_space<vmem>>, vector<16xf32>,
      %swap3A_147 = arith.constant 2 : i32
      %swap3A_148 = arith.index_cast %scan3A_62 : i32 to index
      %swap3A_149 = arith.index_cast %swap3A_147 : i32 to index
      %swap3A_150 = arith.constant 16 : index
      %swap3A_151 = tpu.vector_load %arg7[%swap3A_148, %swap3A_149, %swap3A_150] {strides = array<i32>} : memref<21x8x128xf32, #tpu.memory_space<vmem>>, vector<16xf32>,
      tpu.vector_store %arg7[%swap3A_148, %swap3A_149, %swap3A_150], %broadcast_in_dim3A_38 {strides = array<i32>} : memref<21x8x128xf32, #tpu.memory_space<vmem>>, vector<16xf32>,
      %swap3A_152 = arith.constant 2 : i32
      %swap3A_153 = arith.index_cast %scan3A_62 : i32 to index
      %swap3A_154 = arith.index_cast %swap3A_152 : i32 to index
      %swap3A_155 = arith.constant 32 : index
      %swap3A_156 = tpu.vector_load %arg7[%swap3A_153, %swap3A_154, %swap3A_155] {strides = array<i32>} : memref<21x8x128xf32, #tpu.memory_space<vmem>>, vector<16xf32>,
      tpu.vector_store %arg7[%swap3A_153, %swap3A_154, %swap3A_155], %broadcast_in_dim3A_38 {strides = array<i32>} : memref<21x8x128xf32, #tpu.memory_space<vmem>>, vector<16xf32>,
      %swap3A_157 = arith.constant 2 : i32
      %swap3A_158 = arith.index_cast %scan3A_62 : i32 to index
      %swap3A_159 = arith.index_cast %swap3A_157 : i32 to index
      %swap3A_160 = arith.constant 48 : index
      %swap3A_161 = tpu.vector_load %arg7[%swap3A_158, %swap3A_159, %swap3A_160] {strides = array<i32>} : memref<21x8x128xf32, #tpu.memory_space<vmem>>, vector<16xf32>,
      tpu.vector_store %arg7[%swap3A_158, %swap3A_159, %swap3A_160], %broadcast_in_dim3A_38 {strides = array<i32>} : memref<21x8x128xf32, #tpu.memory_space<vmem>>, vector<16xf32>,
      %swap3A_162 = arith.constant 2 : i32
      %swap3A_163 = arith.index_cast %scan3A_62 : i32 to index
      %swap3A_164 = arith.index_cast %swap3A_162 : i32 to index
      %swap3A_165 = arith.constant 64 : index
      %swap3A_166 = tpu.vector_load %arg7[%swap3A_163, %swap3A_164, %swap3A_165] {strides = array<i32>} : memref<21x8x128xf32, #tpu.memory_space<vmem>>, vector<16xf32>,
      tpu.vector_store %arg7[%swap3A_163, %swap3A_164, %swap3A_165], %broadcast_in_dim3A_38 {strides = array<i32>} : memref<21x8x128xf32, #tpu.memory_space<vmem>>, vector<16xf32>,
      %swap3A_167 = arith.constant 2 : i32
      %swap3A_168 = arith.index_cast %scan3A_62 : i32 to index
      %swap3A_169 = arith.index_cast %swap3A_167 : i32 to index
      %swap3A_170 = arith.constant 80 : index
      %swap3A_171 = tpu.vector_load %arg7[%swap3A_168, %swap3A_169, %swap3A_170] {strides = array<i32>} : memref<21x8x128xf32, #tpu.memory_space<vmem>>, vector<16xf32>,
      tpu.vector_store %arg7[%swap3A_168, %swap3A_169, %swap3A_170], %broadcast_in_dim3A_38 {strides = array<i32>} : memref<21x8x128xf32, #tpu.memory_space<vmem>>, vector<16xf32>,
      %swap3A_172 = arith.constant 2 : i32
      %swap3A_173 = arith.index_cast %scan3A_62 : i32 to index
      %swap3A_174 = arith.index_cast %swap3A_172 : i32 to index
      %swap3A_175 = arith.constant 96 : index
      %swap3A_176 = tpu.vector_load %arg7[%swap3A_173, %swap3A_174, %swap3A_175] {strides = array<i32>} : memref<21x8x128xf32, #tpu.memory_space<vmem>>, vector<16xf32>,
      tpu.vector_store %arg7[%swap3A_173, %swap3A_174, %swap3A_175], %broadcast_in_dim3A_38 {strides = array<i32>} : memref<21x8x128xf32, #tpu.memory_space<vmem>>, vector<16xf32>,
      %swap3A_177 = arith.constant 2 : i32
      %swap3A_178 = arith.index_cast %scan3A_62 : i32 to index
      %swap3A_179 = arith.index_cast %swap3A_177 : i32 to index
      %swap3A_180 = arith.constant 112 : index
      %swap3A_181 = tpu.vector_load %arg7[%swap3A_178, %swap3A_179, %swap3A_180] {strides = array<i32>} : memref<21x8x128xf32, #tpu.memory_space<vmem>>, vector<16xf32>,
      tpu.vector_store %arg7[%swap3A_178, %swap3A_179, %swap3A_180], %broadcast_in_dim3A_38 {strides = array<i32>} : memref<21x8x128xf32, #tpu.memory_space<vmem>>, vector<16xf32>,
      %swap3A_182 = arith.constant 3 : i32
      %swap3A_183 = arith.index_cast %scan3A_62 : i32 to index
      %swap3A_184 = arith.index_cast %swap3A_182 : i32 to index
      %swap3A_185 = arith.constant 0 : index
      %swap3A_186 = tpu.vector_load %arg7[%swap3A_183, %swap3A_184, %swap3A_185] {strides = array<i32>} : memref<21x8x128xf32, #tpu.memory_space<vmem>>, vector<16xf32>,
      tpu.vector_store %arg7[%swap3A_183, %swap3A_184, %swap3A_185], %broadcast_in_dim3A_38 {strides = array<i32>} : memref<21x8x128xf32, #tpu.memory_space<vmem>>, vector<16xf32>,
      %swap3A_187 = arith.constant 3 : i32
      %swap3A_188 = arith.index_cast %scan3A_62 : i32 to index
      %swap3A_189 = arith.index_cast %swap3A_187 : i32 to index
      %swap3A_190 = arith.constant 16 : index
      %swap3A_191 = tpu.vector_load %arg7[%swap3A_188, %swap3A_189, %swap3A_190] {strides = array<i32>} : memref<21x8x128xf32, #tpu.memory_space<vmem>>, vector<16xf32>,
      tpu.vector_store %arg7[%swap3A_188, %swap3A_189, %swap3A_190], %broadcast_in_dim3A_38 {strides = array<i32>} : memref<21x8x128xf32, #tpu.memory_space<vmem>>, vector<16xf32>,
      %swap3A_192 = arith.constant 3 : i32
      %swap3A_193 = arith.index_cast %scan3A_62 : i32 to index
      %swap3A_194 = arith.index_cast %swap3A_192 : i32 to index
      %swap3A_195 = arith.constant 32 : index
      %swap3A_196 = tpu.vector_load %arg7[%swap3A_193, %swap3A_194, %swap3A_195] {strides = array<i32>} : memref<21x8x128xf32, #tpu.memory_space<vmem>>, vector<16xf32>,
      tpu.vector_store %arg7[%swap3A_193, %swap3A_194, %swap3A_195], %broadcast_in_dim3A_38 {strides = array<i32>} : memref<21x8x128xf32, #tpu.memory_space<vmem>>, vector<16xf32>,
      %swap3A_197 = arith.constant 3 : i32
      %swap3A_198 = arith.index_cast %scan3A_62 : i32 to index
      %swap3A_199 = arith.index_cast %swap3A_197 : i32 to index
      %swap3A_200 = arith.constant 48 : index
      %swap3A_201 = tpu.vector_load %arg7[%swap3A_198, %swap3A_199, %swap3A_200] {strides = array<i32>} : memref<21x8x128xf32, #tpu.memory_space<vmem>>, vector<16xf32>,
      tpu.vector_store %arg7[%swap3A_198, %swap3A_199, %swap3A_200], %broadcast_in_dim3A_38 {strides = array<i32>} : memref<21x8x128xf32, #tpu.memory_space<vmem>>, vector<16xf32>,
      %swap3A_202 = arith.constant 3 : i32
      %swap3A_203 = arith.index_cast %scan3A_62 : i32 to index
      %swap3A_204 = arith.index_cast %swap3A_202 : i32 to index
      %swap3A_205 = arith.constant 64 : index
      %swap3A_206 = tpu.vector_load %arg7[%swap3A_203, %swap3A_204, %swap3A_205] {strides = array<i32>} : memref<21x8x128xf32, #tpu.memory_space<vmem>>, vector<16xf32>,
      tpu.vector_store %arg7[%swap3A_203, %swap3A_204, %swap3A_205], %broadcast_in_dim3A_38 {strides = array<i32>} : memref<21x8x128xf32, #tpu.memory_space<vmem>>, vector<16xf32>,
      %swap3A_207 = arith.constant 3 : i32
      %swap3A_208 = arith.index_cast %scan3A_62 : i32 to index
      %swap3A_209 = arith.index_cast %swap3A_207 : i32 to index
      %swap3A_210 = arith.constant 80 : index
      %swap3A_211 = tpu.vector_load %arg7[%swap3A_208, %swap3A_209, %swap3A_210] {strides = array<i32>} : memref<21x8x128xf32, #tpu.memory_space<vmem>>, vector<16xf32>,
      tpu.vector_store %arg7[%swap3A_208, %swap3A_209, %swap3A_210], %broadcast_in_dim3A_38 {strides = array<i32>} : memref<21x8x128xf32, #tpu.memory_space<vmem>>, vector<16xf32>,
      %swap3A_212 = arith.constant 3 : i32
      %swap3A_213 = arith.index_cast %scan3A_62 : i32 to index
      %swap3A_214 = arith.index_cast %swap3A_212 : i32 to index
      %swap3A_215 = arith.constant 96 : index
      %swap3A_216 = tpu.vector_load %arg7[%swap3A_213, %swap3A_214, %swap3A_215] {strides = array<i32>} : memref<21x8x128xf32, #tpu.memory_space<vmem>>, vector<16xf32>,
      tpu.vector_store %arg7[%swap3A_213, %swap3A_214, %swap3A_215], %broadcast_in_dim3A_38 {strides = array<i32>} : memref<21x8x128xf32, #tpu.memory_space<vmem>>, vector<16xf32>,
      %swap3A_217 = arith.constant 3 : i32
      %swap3A_218 = arith.index_cast %scan3A_62 : i32 to index
      %swap3A_219 = arith.index_cast %swap3A_217 : i32 to index
      %swap3A_220 = arith.constant 112 : index
      %swap3A_221 = tpu.vector_load %arg7[%swap3A_218, %swap3A_219, %swap3A_220] {strides = array<i32>} : memref<21x8x128xf32, #tpu.memory_space<vmem>>, vector<16xf32>,
      tpu.vector_store %arg7[%swap3A_218, %swap3A_219, %swap3A_220], %broadcast_in_dim3A_38 {strides = array<i32>} : memref<21x8x128xf32, #tpu.memory_space<vmem>>, vector<16xf32>,
      %swap3A_222 = arith.constant 4 : i32
      %swap3A_223 = arith.index_cast %scan3A_62 : i32 to index
      %swap3A_224 = arith.index_cast %swap3A_222 : i32 to index
      %swap3A_225 = arith.constant 0 : index
      %swap3A_226 = tpu.vector_load %arg7[%swap3A_223, %swap3A_224, %swap3A_225] {strides = array<i32>} : memref<21x8x128xf32, #tpu.memory_space<vmem>>, vector<16xf32>,
      tpu.vector_store %arg7[%swap3A_223, %swap3A_224, %swap3A_225], %broadcast_in_dim3A_38 {strides = array<i32>} : memref<21x8x128xf32, #tpu.memory_space<vmem>>, vector<16xf32>,
      %swap3A_227 = arith.constant 4 : i32
      %swap3A_228 = arith.index_cast %scan3A_62 : i32 to index
      %swap3A_229 = arith.index_cast %swap3A_227 : i32 to index
      %swap3A_230 = arith.constant 16 : index
      %swap3A_231 = tpu.vector_load %arg7[%swap3A_228, %swap3A_229, %swap3A_230] {strides = array<i32>} : memref<21x8x128xf32, #tpu.memory_space<vmem>>, vector<16xf32>,
      tpu.vector_store %arg7[%swap3A_228, %swap3A_229, %swap3A_230], %broadcast_in_dim3A_38 {strides = array<i32>} : memref<21x8x128xf32, #tpu.memory_space<vmem>>, vector<16xf32>,
      %swap3A_232 = arith.constant 4 : i32
      %swap3A_233 = arith.index_cast %scan3A_62 : i32 to index
      %swap3A_234 = arith.index_cast %swap3A_232 : i32 to index
      %swap3A_235 = arith.constant 32 : index
      %swap3A_236 = tpu.vector_load %arg7[%swap3A_233, %swap3A_234, %swap3A_235] {strides = array<i32>} : memref<21x8x128xf32, #tpu.memory_space<vmem>>, vector<16xf32>,
      tpu.vector_store %arg7[%swap3A_233, %swap3A_234, %swap3A_235], %broadcast_in_dim3A_38 {strides = array<i32>} : memref<21x8x128xf32, #tpu.memory_space<vmem>>, vector<16xf32>,
      %swap3A_237 = arith.constant 4 : i32
      %swap3A_238 = arith.index_cast %scan3A_62 : i32 to index
      %swap3A_239 = arith.index_cast %swap3A_237 : i32 to index
      %swap3A_240 = arith.constant 48 : index
      %swap3A_241 = tpu.vector_load %arg7[%swap3A_238, %swap3A_239, %swap3A_240] {strides = array<i32>} : memref<21x8x128xf32, #tpu.memory_space<vmem>>, vector<16xf32>,
      tpu.vector_store %arg7[%swap3A_238, %swap3A_239, %swap3A_240], %broadcast_in_dim3A_38 {strides = array<i32>} : memref<21x8x128xf32, #tpu.memory_space<vmem>>, vector<16xf32>,
      %swap3A_242 = arith.constant 4 : i32
      %swap3A_243 = arith.index_cast %scan3A_62 : i32 to index
      %swap3A_244 = arith.index_cast %swap3A_242 : i32 to index
      %swap3A_245 = arith.constant 64 : index
      %swap3A_246 = tpu.vector_load %arg7[%swap3A_243, %swap3A_244, %swap3A_245] {strides = array<i32>} : memref<21x8x128xf32, #tpu.memory_space<vmem>>, vector<16xf32>,
      tpu.vector_store %arg7[%swap3A_243, %swap3A_244, %swap3A_245], %broadcast_in_dim3A_38 {strides = array<i32>} : memref<21x8x128xf32, #tpu.memory_space<vmem>>, vector<16xf32>,
      %swap3A_247 = arith.constant 4 : i32
      %swap3A_248 = arith.index_cast %scan3A_62 : i32 to index
      %swap3A_249 = arith.index_cast %swap3A_247 : i32 to index
      %swap3A_250 = arith.constant 80 : index
      %swap3A_251 = tpu.vector_load %arg7[%swap3A_248, %swap3A_249, %swap3A_250] {strides = array<i32>} : memref<21x8x128xf32, #tpu.memory_space<vmem>>, vector<16xf32>,
      tpu.vector_store %arg7[%swap3A_248, %swap3A_249, %swap3A_250], %broadcast_in_dim3A_38 {strides = array<i32>} : memref<21x8x128xf32, #tpu.memory_space<vmem>>, vector<16xf32>,
      %swap3A_252 = arith.constant 4 : i32
      %swap3A_253 = arith.index_cast %scan3A_62 : i32 to index
      %swap3A_254 = arith.index_cast %swap3A_252 : i32 to index
      %swap3A_255 = arith.constant 96 : index
      %swap3A_256 = tpu.vector_load %arg7[%swap3A_253, %swap3A_254, %swap3A_255] {strides = array<i32>} : memref<21x8x128xf32, #tpu.memory_space<vmem>>, vector<16xf32>,
      tpu.vector_store %arg7[%swap3A_253, %swap3A_254, %swap3A_255], %broadcast_in_dim3A_38 {strides = array<i32>} : memref<21x8x128xf32, #tpu.memory_space<vmem>>, vector<16xf32>,
      %swap3A_257 = arith.constant 4 : i32
      %swap3A_258 = arith.index_cast %scan3A_62 : i32 to index
      %swap3A_259 = arith.index_cast %swap3A_257 : i32 to index
      %swap3A_260 = arith.constant 112 : index
      %swap3A_261 = tpu.vector_load %arg7[%swap3A_258, %swap3A_259, %swap3A_260] {strides = array<i32>} : memref<21x8x128xf32, #tpu.memory_space<vmem>>, vector<16xf32>,
      tpu.vector_store %arg7[%swap3A_258, %swap3A_259, %swap3A_260], %broadcast_in_dim3A_38 {strides = array<i32>} : memref<21x8x128xf32, #tpu.memory_space<vmem>>, vector<16xf32>,
      %swap3A_262 = arith.constant 5 : i32
      %swap3A_263 = arith.index_cast %scan3A_62 : i32 to index
      %swap3A_264 = arith.index_cast %swap3A_262 : i32 to index
      %swap3A_265 = arith.constant 0 : index
      %swap3A_266 = tpu.vector_load %arg7[%swap3A_263, %swap3A_264, %swap3A_265] {strides = array<i32>} : memref<21x8x128xf32, #tpu.memory_space<vmem>>, vector<16xf32>,
      tpu.vector_store %arg7[%swap3A_263, %swap3A_264, %swap3A_265], %broadcast_in_dim3A_38 {strides = array<i32>} : memref<21x8x128xf32, #tpu.memory_space<vmem>>, vector<16xf32>,
      %swap3A_267 = arith.constant 5 : i32
      %swap3A_268 = arith.index_cast %scan3A_62 : i32 to index
      %swap3A_269 = arith.index_cast %swap3A_267 : i32 to index
      %swap3A_270 = arith.constant 16 : index
      %swap3A_271 = tpu.vector_load %arg7[%swap3A_268, %swap3A_269, %swap3A_270] {strides = array<i32>} : memref<21x8x128xf32, #tpu.memory_space<vmem>>, vector<16xf32>,
      tpu.vector_store %arg7[%swap3A_268, %swap3A_269, %swap3A_270], %broadcast_in_dim3A_38 {strides = array<i32>} : memref<21x8x128xf32, #tpu.memory_space<vmem>>, vector<16xf32>,
      %swap3A_272 = arith.constant 5 : i32
      %swap3A_273 = arith.index_cast %scan3A_62 : i32 to index
      %swap3A_274 = arith.index_cast %swap3A_272 : i32 to index
      %swap3A_275 = arith.constant 32 : index
      %swap3A_276 = tpu.vector_load %arg7[%swap3A_273, %swap3A_274, %swap3A_275] {strides = array<i32>} : memref<21x8x128xf32, #tpu.memory_space<vmem>>, vector<16xf32>,
      tpu.vector_store %arg7[%swap3A_273, %swap3A_274, %swap3A_275], %broadcast_in_dim3A_38 {strides = array<i32>} : memref<21x8x128xf32, #tpu.memory_space<vmem>>, vector<16xf32>,
      %swap3A_277 = arith.constant 5 : i32
      %swap3A_278 = arith.index_cast %scan3A_62 : i32 to index
      %swap3A_279 = arith.index_cast %swap3A_277 : i32 to index
      %swap3A_280 = arith.constant 48 : index
      %swap3A_281 = tpu.vector_load %arg7[%swap3A_278, %swap3A_279, %swap3A_280] {strides = array<i32>} : memref<21x8x128xf32, #tpu.memory_space<vmem>>, vector<16xf32>,
      tpu.vector_store %arg7[%swap3A_278, %swap3A_279, %swap3A_280], %broadcast_in_dim3A_38 {strides = array<i32>} : memref<21x8x128xf32, #tpu.memory_space<vmem>>, vector<16xf32>,
      %swap3A_282 = arith.constant 5 : i32
      %swap3A_283 = arith.index_cast %scan3A_62 : i32 to index
      %swap3A_284 = arith.index_cast %swap3A_282 : i32 to index
      %swap3A_285 = arith.constant 64 : index
      %swap3A_286 = tpu.vector_load %arg7[%swap3A_283, %swap3A_284, %swap3A_285] {strides = array<i32>} : memref<21x8x128xf32, #tpu.memory_space<vmem>>, vector<16xf32>,
      tpu.vector_store %arg7[%swap3A_283, %swap3A_284, %swap3A_285], %broadcast_in_dim3A_38 {strides = array<i32>} : memref<21x8x128xf32, #tpu.memory_space<vmem>>, vector<16xf32>,
      %swap3A_287 = arith.constant 5 : i32
      %swap3A_288 = arith.index_cast %scan3A_62 : i32 to index
      %swap3A_289 = arith.index_cast %swap3A_287 : i32 to index
      %swap3A_290 = arith.constant 80 : index
      %swap3A_291 = tpu.vector_load %arg7[%swap3A_288, %swap3A_289, %swap3A_290] {strides = array<i32>} : memref<21x8x128xf32, #tpu.memory_space<vmem>>, vector<16xf32>,
      tpu.vector_store %arg7[%swap3A_288, %swap3A_289, %swap3A_290], %broadcast_in_dim3A_38 {strides = array<i32>} : memref<21x8x128xf32, #tpu.memory_space<vmem>>, vector<16xf32>,
      %swap3A_292 = arith.constant 5 : i32
      %swap3A_293 = arith.index_cast %scan3A_62 : i32 to index
      %swap3A_294 = arith.index_cast %swap3A_292 : i32 to index
      %swap3A_295 = arith.constant 96 : index
      %swap3A_296 = tpu.vector_load %arg7[%swap3A_293, %swap3A_294, %swap3A_295] {strides = array<i32>} : memref<21x8x128xf32, #tpu.memory_space<vmem>>, vector<16xf32>,
      tpu.vector_store %arg7[%swap3A_293, %swap3A_294, %swap3A_295], %broadcast_in_dim3A_38 {strides = array<i32>} : memref<21x8x128xf32, #tpu.memory_space<vmem>>, vector<16xf32>,
      %swap3A_297 = arith.constant 5 : i32
      %swap3A_298 = arith.index_cast %scan3A_62 : i32 to index
      %swap3A_299 = arith.index_cast %swap3A_297 : i32 to index
      %swap3A_300 = arith.constant 112 : index
      %swap3A_301 = tpu.vector_load %arg7[%swap3A_298, %swap3A_299, %swap3A_300] {strides = array<i32>} : memref<21x8x128xf32, #tpu.memory_space<vmem>>, vector<16xf32>,
      tpu.vector_store %arg7[%swap3A_298, %swap3A_299, %swap3A_300], %broadcast_in_dim3A_38 {strides = array<i32>} : memref<21x8x128xf32, #tpu.memory_space<vmem>>, vector<16xf32>,
      %swap3A_302 = arith.constant 6 : i32
      %swap3A_303 = arith.index_cast %scan3A_62 : i32 to index
      %swap3A_304 = arith.index_cast %swap3A_302 : i32 to index
      %swap3A_305 = arith.constant 0 : index
      %swap3A_306 = tpu.vector_load %arg7[%swap3A_303, %swap3A_304, %swap3A_305] {strides = array<i32>} : memref<21x8x128xf32, #tpu.memory_space<vmem>>, vector<16xf32>,
      tpu.vector_store %arg7[%swap3A_303, %swap3A_304, %swap3A_305], %broadcast_in_dim3A_38 {strides = array<i32>} : memref<21x8x128xf32, #tpu.memory_space<vmem>>, vector<16xf32>,
      %swap3A_307 = arith.constant 6 : i32
      %swap3A_308 = arith.index_cast %scan3A_62 : i32 to index
      %swap3A_309 = arith.index_cast %swap3A_307 : i32 to index
      %swap3A_310 = arith.constant 16 : index
      %swap3A_311 = tpu.vector_load %arg7[%swap3A_308, %swap3A_309, %swap3A_310] {strides = array<i32>} : memref<21x8x128xf32, #tpu.memory_space<vmem>>, vector<16xf32>,
      tpu.vector_store %arg7[%swap3A_308, %swap3A_309, %swap3A_310], %broadcast_in_dim3A_38 {strides = array<i32>} : memref<21x8x128xf32, #tpu.memory_space<vmem>>, vector<16xf32>,
      %swap3A_312 = arith.constant 6 : i32
      %swap3A_313 = arith.index_cast %scan3A_62 : i32 to index
      %swap3A_314 = arith.index_cast %swap3A_312 : i32 to index
      %swap3A_315 = arith.constant 32 : index
      %swap3A_316 = tpu.vector_load %arg7[%swap3A_313, %swap3A_314, %swap3A_315] {strides = array<i32>} : memref<21x8x128xf32, #tpu.memory_space<vmem>>, vector<16xf32>,
      tpu.vector_store %arg7[%swap3A_313, %swap3A_314, %swap3A_315], %broadcast_in_dim3A_38 {strides = array<i32>} : memref<21x8x128xf32, #tpu.memory_space<vmem>>, vector<16xf32>,
      %swap3A_317 = arith.constant 6 : i32
      %swap3A_318 = arith.index_cast %scan3A_62 : i32 to index
      %swap3A_319 = arith.index_cast %swap3A_317 : i32 to index
      %swap3A_320 = arith.constant 48 : index
      %swap3A_321 = tpu.vector_load %arg7[%swap3A_318, %swap3A_319, %swap3A_320] {strides = array<i32>} : memref<21x8x128xf32, #tpu.memory_space<vmem>>, vector<16xf32>,
      tpu.vector_store %arg7[%swap3A_318, %swap3A_319, %swap3A_320], %broadcast_in_dim3A_38 {strides = array<i32>} : memref<21x8x128xf32, #tpu.memory_space<vmem>>, vector<16xf32>,
      %swap3A_322 = arith.constant 6 : i32
      %swap3A_323 = arith.index_cast %scan3A_62 : i32 to index
      %swap3A_324 = arith.index_cast %swap3A_322 : i32 to index
      %swap3A_325 = arith.constant 64 : index
      %swap3A_326 = tpu.vector_load %arg7[%swap3A_323, %swap3A_324, %swap3A_325] {strides = array<i32>} : memref<21x8x128xf32, #tpu.memory_space<vmem>>, vector<16xf32>,
      tpu.vector_store %arg7[%swap3A_323, %swap3A_324, %swap3A_325], %broadcast_in_dim3A_38 {strides = array<i32>} : memref<21x8x128xf32, #tpu.memory_space<vmem>>, vector<16xf32>,
      %swap3A_327 = arith.constant 6 : i32
      %swap3A_328 = arith.index_cast %scan3A_62 : i32 to index
      %swap3A_329 = arith.index_cast %swap3A_327 : i32 to index
      %swap3A_330 = arith.constant 80 : index
      %swap3A_331 = tpu.vector_load %arg7[%swap3A_328, %swap3A_329, %swap3A_330] {strides = array<i32>} : memref<21x8x128xf32, #tpu.memory_space<vmem>>, vector<16xf32>,
      tpu.vector_store %arg7[%swap3A_328, %swap3A_329, %swap3A_330], %broadcast_in_dim3A_38 {strides = array<i32>} : memref<21x8x128xf32, #tpu.memory_space<vmem>>, vector<16xf32>,
      %swap3A_332 = arith.constant 6 : i32
      %swap3A_333 = arith.index_cast %scan3A_62 : i32 to index
      %swap3A_334 = arith.index_cast %swap3A_332 : i32 to index
      %swap3A_335 = arith.constant 96 : index
      %swap3A_336 = tpu.vector_load %arg7[%swap3A_333, %swap3A_334, %swap3A_335] {strides = array<i32>} : memref<21x8x128xf32, #tpu.memory_space<vmem>>, vector<16xf32>,
      tpu.vector_store %arg7[%swap3A_333, %swap3A_334, %swap3A_335], %broadcast_in_dim3A_38 {strides = array<i32>} : memref<21x8x128xf32, #tpu.memory_space<vmem>>, vector<16xf32>,
      %swap3A_337 = arith.constant 6 : i32
      %swap3A_338 = arith.index_cast %scan3A_62 : i32 to index
      %swap3A_339 = arith.index_cast %swap3A_337 : i32 to index
      %swap3A_340 = arith.constant 112 : index
      %swap3A_341 = tpu.vector_load %arg7[%swap3A_338, %swap3A_339, %swap3A_340] {strides = array<i32>} : memref<21x8x128xf32, #tpu.memory_space<vmem>>, vector<16xf32>,
      tpu.vector_store %arg7[%swap3A_338, %swap3A_339, %swap3A_340], %broadcast_in_dim3A_38 {strides = array<i32>} : memref<21x8x128xf32, #tpu.memory_space<vmem>>, vector<16xf32>,
      %swap3A_342 = arith.constant 7 : i32
      %swap3A_343 = arith.index_cast %scan3A_62 : i32 to index
      %swap3A_344 = arith.index_cast %swap3A_342 : i32 to index
      %swap3A_345 = arith.constant 0 : index
      %swap3A_346 = tpu.vector_load %arg7[%swap3A_343, %swap3A_344, %swap3A_345] {strides = array<i32>} : memref<21x8x128xf32, #tpu.memory_space<vmem>>, vector<16xf32>,
      tpu.vector_store %arg7[%swap3A_343, %swap3A_344, %swap3A_345], %broadcast_in_dim3A_38 {strides = array<i32>} : memref<21x8x128xf32, #tpu.memory_space<vmem>>, vector<16xf32>,
      %swap3A_347 = arith.constant 7 : i32
      %swap3A_348 = arith.index_cast %scan3A_62 : i32 to index
      %swap3A_349 = arith.index_cast %swap3A_347 : i32 to index
      %swap3A_350 = arith.constant 16 : index
      %swap3A_351 = tpu.vector_load %arg7[%swap3A_348, %swap3A_349, %swap3A_350] {strides = array<i32>} : memref<21x8x128xf32, #tpu.memory_space<vmem>>, vector<16xf32>,
      tpu.vector_store %arg7[%swap3A_348, %swap3A_349, %swap3A_350], %broadcast_in_dim3A_38 {strides = array<i32>} : memref<21x8x128xf32, #tpu.memory_space<vmem>>, vector<16xf32>,
      %swap3A_352 = arith.constant 7 : i32
      %swap3A_353 = arith.index_cast %scan3A_62 : i32 to index
      %swap3A_354 = arith.index_cast %swap3A_352 : i32 to index
      %swap3A_355 = arith.constant 32 : index
      %swap3A_356 = tpu.vector_load %arg7[%swap3A_353, %swap3A_354, %swap3A_355] {strides = array<i32>} : memref<21x8x128xf32, #tpu.memory_space<vmem>>, vector<16xf32>,
      tpu.vector_store %arg7[%swap3A_353, %swap3A_354, %swap3A_355], %broadcast_in_dim3A_38 {strides = array<i32>} : memref<21x8x128xf32, #tpu.memory_space<vmem>>, vector<16xf32>,
      %swap3A_357 = arith.constant 7 : i32
      %swap3A_358 = arith.index_cast %scan3A_62 : i32 to index
      %swap3A_359 = arith.index_cast %swap3A_357 : i32 to index
      %swap3A_360 = arith.constant 48 : index
      %swap3A_361 = tpu.vector_load %arg7[%swap3A_358, %swap3A_359, %swap3A_360] {strides = array<i32>} : memref<21x8x128xf32, #tpu.memory_space<vmem>>, vector<16xf32>,
      tpu.vector_store %arg7[%swap3A_358, %swap3A_359, %swap3A_360], %broadcast_in_dim3A_38 {strides = array<i32>} : memref<21x8x128xf32, #tpu.memory_space<vmem>>, vector<16xf32>,
      %swap3A_362 = arith.constant 7 : i32
      %swap3A_363 = arith.index_cast %scan3A_62 : i32 to index
      %swap3A_364 = arith.index_cast %swap3A_362 : i32 to index
      %swap3A_365 = arith.constant 64 : index
      %swap3A_366 = tpu.vector_load %arg7[%swap3A_363, %swap3A_364, %swap3A_365] {strides = array<i32>} : memref<21x8x128xf32, #tpu.memory_space<vmem>>, vector<16xf32>,
      tpu.vector_store %arg7[%swap3A_363, %swap3A_364, %swap3A_365], %broadcast_in_dim3A_38 {strides = array<i32>} : memref<21x8x128xf32, #tpu.memory_space<vmem>>, vector<16xf32>,
      %swap3A_367 = arith.constant 7 : i32
      %swap3A_368 = arith.index_cast %scan3A_62 : i32 to index
      %swap3A_369 = arith.index_cast %swap3A_367 : i32 to index
      %swap3A_370 = arith.constant 80 : index
      %swap3A_371 = tpu.vector_load %arg7[%swap3A_368, %swap3A_369, %swap3A_370] {strides = array<i32>} : memref<21x8x128xf32, #tpu.memory_space<vmem>>, vector<16xf32>,
      tpu.vector_store %arg7[%swap3A_368, %swap3A_369, %swap3A_370], %broadcast_in_dim3A_38 {strides = array<i32>} : memref<21x8x128xf32, #tpu.memory_space<vmem>>, vector<16xf32>,
      %swap3A_372 = arith.constant 7 : i32
      %swap3A_373 = arith.index_cast %scan3A_62 : i32 to index
      %swap3A_374 = arith.index_cast %swap3A_372 : i32 to index
      %swap3A_375 = arith.constant 96 : index
      %swap3A_376 = tpu.vector_load %arg7[%swap3A_373, %swap3A_374, %swap3A_375] {strides = array<i32>} : memref<21x8x128xf32, #tpu.memory_space<vmem>>, vector<16xf32>,
      tpu.vector_store %arg7[%swap3A_373, %swap3A_374, %swap3A_375], %broadcast_in_dim3A_38 {strides = array<i32>} : memref<21x8x128xf32, #tpu.memory_space<vmem>>, vector<16xf32>,
      %swap3A_377 = arith.constant 7 : i32
      %swap3A_378 = arith.index_cast %scan3A_62 : i32 to index
      %swap3A_379 = arith.index_cast %swap3A_377 : i32 to index
      %swap3A_380 = arith.constant 112 : index
      %swap3A_381 = tpu.vector_load %arg7[%swap3A_378, %swap3A_379, %swap3A_380] {strides = array<i32>} : memref<21x8x128xf32, #tpu.memory_space<vmem>>, vector<16xf32>,
      tpu.vector_store %arg7[%swap3A_378, %swap3A_379, %swap3A_380], %broadcast_in_dim3A_38 {strides = array<i32>} : memref<21x8x128xf32, #tpu.memory_space<vmem>>, vector<16xf32>,
    }
    %scan3A_45 = arith.constant 21 : i32
    %dma_wait3A = arith.constant 0 : i32
    %dma_wait3A_46 = tpu.memref_slice %arg2[%mul3A_32, %dma_wait3A] : memref<2048x16xi32, #tpu.memory_space<hbm>> -> memref<128x16xi32, #tpu.memory_space<hbm>>
    %dma_wait3A_47 = arith.constant 0 : i32
    %dma_wait3A_48 = tpu.memref_slice %arg2[%mul3A_32, %dma_wait3A_47] : memref<2048x16xi32, #tpu.memory_space<hbm>> -> memref<128x16xi32, #tpu.memory_space<hbm>>
    tpu.wait_dma2 semaphore(%arg8 : memref<!tpu.dma_semaphore, #tpu.memory_space<semaphore_mem>>) src(%dma_wait3A_48 : memref<128x16xi32, #tpu.memory_space<hbm>>) dst(%arg5 : memref<128x16xi32, #tpu.memory_space<vmem>>)
    tpu.wait_dma2 semaphore(%arg8 : memref<!tpu.dma_semaphore, #tpu.memory_space<semaphore_mem>>) src(%arg3 : memref<16xi32, #tpu.memory_space<hbm>>) dst(%arg6 : memref<16xi32, #tpu.memory_space<vmem>>)
    %and3A_49 = arith.constant 7 : i32
    %and3A_50 = vector.broadcast %and3A_49 : i32 to vector<16xi32>
    %and3A_51 = arith.andi %iota3A, %and3A_50 : vector<16xi32>
    %add3A_52 = vector.broadcast %mul3A_34 : i32 to vector<16xi32>
    %add3A_53 = arith.addi %and3A_51, %add3A_52 : vector<16xi32>
    %shift_right_arithmetic3A = arith.constant 3 : i32
    %shift_right_arithmetic3A_54 = vector.broadcast %shift_right_arithmetic3A : i32 to vector<16xi32>
    %shift_right_arithmetic3A_55 = arith.shrsi %iota3A, %shift_right_arithmetic3A_54 : vector<16xi32>
    %gather3A = tpu.vector_load_idx %arg6[%add3A_53] : memref<16xi32, #tpu.memory_space<vmem>>[vector<16xi32>], vector<16xi32>,
    %scan3A_56 = arith.constant 0 : i32
    %scan3A_57 = arith.constant 0 : i32
    %scan3A_58 = arith.constant 32 : i32
    %scan3A_59 = arith.addi %scan3A_57, %scan3A_58 : i32
    %scan3A_60 = arith.constant 1 : i32
    scf.for %scan3A_62 = %scan3A_57 to %scan3A_59 step %scan3A_60  : i32 {
      %mul3A_63 = arith.constant 4 : i32
      %mul3A_64 = arith.muli %mul3A_63, %scan3A_62 : i32
      %add3A_65 = arith.constant 0 : i32
      %add3A_66 = arith.addi %mul3A_64, %add3A_65 : i32
      %broadcast_in_dim3A_67 = vector.broadcast %add3A_66 : i32 to vector<16xi32>
      %add3A_68 = arith.addi %broadcast_in_dim3A_67, %shift_right_arithmetic3A_55 : vector<16xi32>
      %gather3A_69 = tpu.vector_load_idx %arg5[%add3A_68, %add3A_53] : memref<128x16xi32, #tpu.memory_space<vmem>>[vector<16xi32>, vector<16xi32>], vector<16xi32>,
      %add3A_70 = vector.broadcast %mul3A_32 : i32 to vector<16xi32>
      %add3A_71 = arith.addi %add3A_70, %add3A_68 : vector<16xi32>
      %lt3A_72 = arith.cmpi slt, %add3A_71, %gather3A : vector<16xi32>
      tpu.vector_store_idx %arg7[%gather3A_69, %and3A_51, %add3A_68], %broadcast_in_dim3A_40 masked %lt3A_72 : memref<21x8x128xf32, #tpu.memory_space<vmem>>[vector<16xi32>, vector<16xi32>, vector<16xi32>], vector<16xf32>, vector<16xi1>
      %mul3A_73 = arith.constant 4 : i32
      %mul3A_74 = arith.muli %mul3A_73, %scan3A_62 : i32
      %add3A_75 = arith.constant 2 : i32
      %add3A_76 = arith.addi %mul3A_74, %add3A_75 : i32
      %broadcast_in_dim3A_77 = vector.broadcast %add3A_76 : i32 to vector<16xi32>
      %add3A_78 = arith.addi %broadcast_in_dim3A_77, %shift_right_arithmetic3A_55 : vector<16xi32>
      %gather3A_79 = tpu.vector_load_idx %arg5[%add3A_78, %add3A_53] : memref<128x16xi32, #tpu.memory_space<vmem>>[vector<16xi32>, vector<16xi32>], vector<16xi32>,
      %add3A_80 = vector.broadcast %mul3A_32 : i32 to vector<16xi32>
      %add3A_81 = arith.addi %add3A_80, %add3A_78 : vector<16xi32>
      %lt3A_82 = arith.cmpi slt, %add3A_81, %gather3A : vector<16xi32>
      tpu.vector_store_idx %arg7[%gather3A_79, %and3A_51, %add3A_78], %broadcast_in_dim3A_40 masked %lt3A_82 : memref<21x8x128xf32, #tpu.memory_space<vmem>>[vector<16xi32>, vector<16xi32>, vector<16xi32>], vector<16xf32>, vector<16xi1>
    }
    %scan3A_61 = arith.constant 32 : i32
    "tpu.region"() ({
      %run_scoped3A = tpu.sem_alloc : memref<!tpu.dma_semaphore, #tpu.memory_space<semaphore_mem>>
      %dma_start3A_62 = arith.constant 0 : i32
      %dma_start3A_63 = tpu.memref_slice %arg4[%dma_start3A_62, %mul3A_34, %mul3A_32] : memref<21x16x2048xf32, #tpu.memory_space<hbm>> -> memref<21x8x128xf32, #tpu.memory_space<hbm>>
      %dma_start3A_64 = arith.constant 0 : i32
      %dma_start3A_65 = tpu.memref_slice %arg4[%dma_start3A_64, %mul3A_34, %mul3A_32] : memref<21x16x2048xf32, #tpu.memory_space<hbm>> -> memref<21x8x128xf32, #tpu.memory_space<hbm>>
      tpu.enqueue_dma source(%arg7 : memref<21x8x128xf32, #tpu.memory_space<vmem>>) target(%dma_start3A_65 : memref<21x8x128xf32, #tpu.memory_space<hbm>>) target_semaphore(%run_scoped3A : memref<!tpu.dma_semaphore, #tpu.memory_space<semaphore_mem>>)
      %dma_wait3A_66 = arith.constant 0 : i32
      %dma_wait3A_67 = tpu.memref_slice %arg4[%dma_wait3A_66, %mul3A_34, %mul3A_32] : memref<21x16x2048xf32, #tpu.memory_space<hbm>> -> memref<21x8x128xf32, #tpu.memory_space<hbm>>
      %dma_wait3A_68 = arith.constant 0 : i32
      %dma_wait3A_69 = tpu.memref_slice %arg4[%dma_wait3A_68, %mul3A_34, %mul3A_32] : memref<21x16x2048xf32, #tpu.memory_space<hbm>> -> memref<21x8x128xf32, #tpu.memory_space<hbm>>
      tpu.wait_dma2 semaphore(%run_scoped3A : memref<!tpu.dma_semaphore, #tpu.memory_space<semaphore_mem>>) src(%arg7 : memref<21x8x128xf32, #tpu.memory_space<vmem>>) dst(%dma_wait3A_69 : memref<21x8x128xf32, #tpu.memory_space<hbm>>)
      tpu.yield
    }) : () -> ()
    return
  }
}

</mosaic_0001>

<sc_bundles>
// kernel: kernel.3.cloned.1.call-start
scs
__scs_entry_jumppad:
0x0: {  	(pc) =	sbr.rel $0x88, $3  }
0x1: {  	(tag) =	ssettag $0x0;
	lr =	simm.s32 $0x1  }
0x2: {  	[smem:$0x3F9F] =	sst lr;
	_ =	strace $0xD0000000  }
0x3: {  	_ = 	snop  }
0x4: {  	_ = 	snop  }
0x5: {  	_ = 	snop  }
0x6: {  	_ = 	snop  }
0x7: {  	_ = 	snop  }
__scs_overlays_trampoline_lowered:
0x8: {  	[smem:$0x3FAE] =	sst s0  }
0x9: {  	[smem:$0x3FAF] =	sst s1  }
0xa: {  	[smem:$0x3FB0] =	sst s2  }
0xb: {  	[smem:$0x3FB1] =	sst s3  }
0xc: {  	[smem:$0x3FB2] =	sst s4  }
0xd: {  	[smem:$0x3FB3] =	sst s5  }
0xe: {  	[smem:$0x3FB4] =	sst s6  }
0xf: {  	[smem:$0x3FB5] =	sst s7  }
0x10: {  	[smem:$0x3FB6] =	sst s8  }
0x11: {  	[smem:$0x3FB7] =	sst s9;
	s0 =	simm.s32 @!p0 $0x0  }
0x12: {  	s1 =	sld [smem:$0x3F9D];
	s0 =	simm.s32 @p0 $0x1  }
0x13: {  	[smem:$0x3FB8] =	sst s0;
	s0 =	simm.s32 @!p1 $0x0  }
0x14: {  	s2 =	sld [smem:$0x3F9C];
	s0 =	simm.s32 @p1 $0x1  }
0x15: {  	[smem:$0x3FB9] =	sst s0;
	s0 =	simm.s32 @!p2 $0x0  }
0x16: {  	s3 =	sld [smem:$0x3FDB];
	s0 =	simm.s32 @p2 $0x1  }
0x17: {  	s4 =	simm.s32 $0x1BF5;
	[smem:$0x3FBB] =	sst s0  }
0x18: {  	s0 =	sld [smem:$0x3F9E];
	_ =	swait.ge [sflag:s4], $0x0  }
0x19: {  	s7 =	sld [smem:$0x3F9F]  }
0x1a: {  	s8 =	sadd.s32 $0xFFFFE003, lr  }
0x1b: {  	s9 =	sadd.s32 $0xFFFFFEF7, lr;
	s5 =	simm.s32 $0xFFFFFFFF;
	p2 =	slt.u32 s8, $0xFFFFF086  }
0x1c: {  	p1 =	slt.u32 s9, $0xF7A;
	s5 =	simm.s32 @!p2 $0x0  }
0x1d: {  	s5 =	simm.s32 @p1 $0x1;
	p0 =	seq.s32 s7, s2  }
0x1e: {  	s7 =	smul.u32 @!p0 $0xF7A, s2;
	p2 =	seq.s32 @!p0 s5, $0x0  }
0x1f: {  	s9 =	smul.u32 $0xF7A, s1;
	s8 =	simm.s32 @!p0 $0x1BF5;
	p2 =	por !p2, p0  }
0x20: {  	[sflag:s8] =	ssyncset.s32 @!p0 $0xFFFFF086;
	s6 =	sadd.s32 @!p0 s3, s7;
	s7 =	simm.s32 @!p0 $0x108  }
0x21: {  	s3 =	sadd.s32 s3, s9;
	s6 =	sadd.s32 @!p0 $0x88, s6;
	s7 =	simm.s32 @p2 $0x1082  }
0x22: {  	[simem:s7], [sflag:s8] =	dma.local @!p0 [hbm:s6], $0xF7A  }
0x23: {  	s9 =	sor.u32 $0xD0000000, s2;
	s6 =	simm.s32 $0x108;
	_ =	swait.ge @!p0 [sflag:s8], $0x0  }
0x24: {  	s3 =	sadd.s32 $0x88, s3;
	s6 =	simm.s32 @!p1 $0x1082;
	[sflag:s4] =	ssyncset.s32 $0xFFFFF086  }
0x25: {  	[simem:s6], [sflag:s4] =	dma.local [hbm:s3], $0xF7A  }
0x26: {  	[smem:$0x3F9F] =	sst s1;
	(tag) =	ssettag s2;
	_ =	strace s9  }
0x27: {  	s1 =	sld [smem:$0x3FAF]  }
0x28: {  	s2 =	sld [smem:$0x3FB0]  }
0x29: {  	s4 =	sld [smem:$0x3FB2]  }
0x2a: {  	p0 =	seq.s32 s5, $0x0;
	s5 =	sld [smem:$0x3FB3]  }
0x2b: {  	s6 =	sld [smem:$0x3FB4]  }
0x2c: {  	s7 =	sld [smem:$0x3FB5]  }
0x2d: {  	s3 =	simm.s32 $0x108;
	s8 =	sld [smem:$0x3FB6]  }
0x2e: {  	s3 =	simm.s32 @!p0 $0x1082;
	s9 =	sld [smem:$0x3FB7]  }
0x2f: {  	lr =	sadd.s32 s0, s3;
	s0 =	sld [smem:$0x3FAE]  }
0x30: {  	s3 =	sld [smem:$0x3FB1]  }
0x31: {  	[smem:$0x3FBA] =	sst s10  }
0x32: {  	s10 =	sld [smem:$0x3FB8];
	_ =	sdelay $0x3  }
0x33: {  	p0 =	seq.s32 s10, $0x1;
	s10 =	sld [smem:$0x3FBA];
	_ =	sdelay $0x3  }
0x34: {  	[smem:$0x3FBA] =	sst s10  }
0x35: {  	s10 =	sld [smem:$0x3FB9];
	_ =	sdelay $0x3  }
0x36: {  	p1 =	seq.s32 s10, $0x1;
	s10 =	sld [smem:$0x3FBA];
	_ =	sdelay $0x3  }
0x37: {  	[smem:$0x3FBA] =	sst s10  }
0x38: {  	s10 =	sld [smem:$0x3FBB]  }
0x39: {  	_ = 	snop;
	(pc) =	sbr.ind lr, $3  }
0x3a: {  	_ = 	snop  }
0x3b: {  	_ = 	snop  }
0x3c: {  	p2 =	seq.s32 s10, $0x1;
	s10 =	sld [smem:$0x3FBA]  }
0x3d: {  	_ =	shalt  }
0x3e: {  	_ =	shalt  }
0x3f: {  	_ =	shalt  }
0x40: {  	_ =	shalt  }
0x41: {  	_ =	shalt  }
0x42: {  	_ =	shalt  }
0x43: {  	_ =	shalt  }
0x44: {  	_ =	shalt  }
0x45: {  	_ =	shalt  }
0x46: {  	_ =	shalt  }
0x47: {  	_ =	shalt  }
0x48: {  	_ =	shalt  }
0x49: {  	_ =	shalt  }
0x4a: {  	_ =	shalt  }
0x4b: {  	_ =	shalt  }
0x4c: {  	_ =	shalt  }
0x4d: {  	_ =	shalt  }
0x4e: {  	_ =	shalt  }
0x4f: {  	_ =	shalt  }
0x50: {  	_ =	shalt  }
0x51: {  	_ =	shalt  }
0x52: {  	_ =	shalt  }
0x53: {  	_ =	shalt  }
0x54: {  	_ =	shalt  }
0x55: {  	_ =	shalt  }
0x56: {  	_ =	shalt  }
0x57: {  	_ =	shalt  }
0x58: {  	_ =	shalt  }
0x59: {  	_ =	shalt  }
0x5a: {  	_ =	shalt  }
0x5b: {  	_ =	shalt  }
0x5c: {  	_ =	shalt  }
0x5d: {  	_ =	shalt  }
0x5e: {  	_ =	shalt  }
0x5f: {  	_ =	shalt  }
0x60: {  	_ =	shalt  }
0x61: {  	_ =	shalt  }
0x62: {  	_ =	shalt  }
0x63: {  	_ =	shalt  }
0x64: {  	_ =	shalt  }
0x65: {  	_ =	shalt  }
0x66: {  	_ =	shalt  }
0x67: {  	_ =	shalt  }
0x68: {  	_ =	shalt  }
0x69: {  	_ =	shalt  }
0x6a: {  	_ =	shalt  }
0x6b: {  	_ =	shalt  }
0x6c: {  	_ =	shalt  }
0x6d: {  	_ =	shalt  }
0x6e: {  	_ =	shalt  }
0x6f: {  	_ =	shalt  }
0x70: {  	_ =	shalt  }
0x71: {  	_ =	shalt  }
0x72: {  	_ =	shalt  }
0x73: {  	_ =	shalt  }
0x74: {  	_ =	shalt  }
0x75: {  	_ =	shalt  }
0x76: {  	_ =	shalt  }
0x77: {  	_ =	shalt  }
0x78: {  	_ =	shalt  }
0x79: {  	_ =	shalt  }
0x7a: {  	_ =	shalt  }
0x7b: {  	_ =	shalt  }
0x7c: {  	_ =	shalt  }
0x7d: {  	_ =	shalt  }
0x7e: {  	_ =	shalt  }
0x7f: {  	_ =	shalt  }
0x80: {  	_ =	shalt  }
0x81: {  	_ =	shalt  }
0x82: {  	_ =	shalt  }
0x83: {  	_ =	shalt  }
0x84: {  	_ =	shalt  }
0x85: {  	_ =	shalt  }
0x86: {  	_ =	shalt  }
0x87: {  	_ =	shalt  }
.Lfunc_end0:
.L_simem_size_0:
called_computation_lowered:
.L_overlay_start_0:
0x88: {  	s2 =	sld [smem:$0x3FD9]  }
0x89: {  	s3 =	sld [smem:$0x3FFE];
	_ =	sdelay $0x1  }
0x8a: {  	s1 =	srdreg.scid  }
0x8b: {  	s0 =	sand.u32 $0x1, s1  }
0x8c: {  	s17 =	sshll.u32 s0, $0xA;
	s2 =	sadd.s32 s3, s2  }
0x8d: {  	s2 =	sadd.s32 s2, s17  }
0x8e: {  	[smem:$0x3FC6] =	sst s2  }
0x8f: {  	_ = 	snop  }
0x90: {  	s2 =	sld [smem:$0x3FC8]  }
0x91: {  	s18 =	sld [smem:$0x3FD0];
	(tm) =	ssettm $0x1  }
0x92: {  	s4 =	sld [smem:$0x3FFB];
	_ =	sdelay $0x3  }
0x93: {  	_ =	strace s4  }
0x94: {  	s4 =	sld [smem:$0x3FFC];
	_ =	sdelay $0x3  }
0x95: {  	_ =	strace s4  }
0x96: {  	s4 =	sld [smem:$0x3FFD];
	_ =	sdelay $0x3  }
0x97: {  	_ =	strace s4  }
0x98: {  	_ =	strace $0x8FFFFFFF  }
0x99: {  	s19 =	sld [smem:$0x3FDB];
	_ =	sdelay $0x1  }
0x9a: {  	s5 =	simm.s32 $_scs_section_size  }
0x9b: {  	s6 =	simm.s32 $_size__tile_overlayer_lowered;
	s7 =	simm.s32 $_tile_overlayer_lowered  }
0x9c: {  	s22 =	simm.s32 $0x1BFF;
	s21 =	sshll.u32 s7, $0x1;
	s4 =	sadd.s32 s5, s19  }
0x9d: {  	s8 =	simm.s32 $0x0;
	s20 =	sshll.u32 s6, $0x1;
	s6 =	sadd.s32 s21, s4  }
0x9e: {  	[timem:s8], [sflag:s22] =	dma.local [hbm:s6], s20  }
0x9f: {  	_ =	swait.ge [sflag:s22], s20  }
0xa0: {  	s5 =	ssub.s32 $0x0, s20;
	[sflag:s22] =	ssyncset.done $0x0  }
0xa1: {  	[sflag:s22] =	ssyncadd.s32 s5;
	_ =	sdelay $0x1  }
0xa2: {  	s23 =	simm.s32 $0x1B8B  }
0xa3: {  	_ =	swait.ge [sflag:s23], $0x1  }
0xa4: {  	[sflag:s23] =	ssyncset.done $0x0  }
0xa5: {  	s25 =	simm.s32 $0x1B8E;
	s24 =	sld [smem:$0x3FFE];
	[sflag:s23] =	ssyncadd.s32 $0xFFFFFFFF  }
0xa6: {  	s26 =	simm.s32 $execute0_lowered;
	[smem:$0x3FD2] =	sst s25  }
0xa7: {  	s6 =	sshll.u32 s26, $0x1;
	_ =	strace $0x80000046;
	[dreg:$0x1] =	wrdreg $0xFFFFFFFF  }
0xa8: {  	s28 =	simm.s32 $_size_execute0_lowered;
	s4 =	sadd.s32 s4, s6;
	[dreg:$0x0] =	wrdreg $0x0  }
0xa9: {  	s6 =	sshll.u32 s28, $0x1;
	[dreg:$0x2] =	wrdreg s4  }
0xaa: {  	[dreg:$0x3] =	wrdreg s6  }
0xab: {  	[dreg:$0x4] =	wrdreg $0xC0  }
0xac: {  	_ =	task [dreg:s8], $0x5FFFF  }
0xad: {  	[dreg:$0x1] =	wrdreg $0xFFFFFFFF  }
0xae: {  	[dreg:$0x0] =	wrdreg $0x60  }
0xaf: {  	[dreg:$0x2] =	wrdreg s24  }
0xb0: {  	[dreg:$0x3] =	wrdreg s2  }
0xb1: {  	[dreg:$0x4] =	wrdreg s18  }
0xb2: {  	[dreg:$0x5] =	wrdreg $0x9  }
0xb3: {  	_ =	task.clear_ibuf [dreg:s8], $0x6FFFF;
	_ =	strace $0x90000046  }
0xb4: {  	s29 =	simm.s32 $0x9;
	_ =	strace $0x80000048  }
0xb5: {  	_ =	swait.ge [sflag:s29], $0x1  }
0xb6: {  	[sflag:s29] =	ssyncadd.s32 $0xFFFFFFFF  }
0xb7: {  	_ =	strace $0x90000048  }
0xb8: {  	_ =	sfence  }
0xb9: {  	s30 =	sld [smem:$0x0];
	_ =	sdelay $0x2  }
0xba: {  	s31 =	sshll.u32 s1, $0xD;
	s1 =	sshrl.u32 s1, $0x2  }
0xbb: {  	s3 =	sand.u32 $0x4000, s31;
	s1 =	sadd.s32 s1, s30  }
0xbc: {  	s0 =	sor.u32 s3, s0;
	s1 =	sshll.u32 s1, $0x11  }
0xbd: {  	s0 =	sor.u32 s1, s0  }
0xbe: {  	s0 =	sadd.s32 $0x8F2B, s0  }
0xbf: {  	[sflag:s0] =	ssyncadd.remote.s32 $0x1  }
0xc0: {  	_ =	sfence.sel $0xFFFF  }
0xc1: {  	[dreg:$0x0] =	wrdreg $0xFFFFFFFF;
	(pc) =	sbr.abs _section_cstart, $3  }
0xc2: {  	[dreg:$0x1] =	wrdreg $0xFFFFFFFF  }
0xc3: {  	_ =	task.clear_ibuf [dreg:s8], $0x2FFFF;
	_ =	strace $0x9FFFFFFF  }
0xc4: {  	(tm) =	ssettm $0x7FFFFFFF  }
0xc5: {  	_ =	shalt  }
tec
execute0_lowered:
.L_overlay_start_1:
0x0: {  	(tag) =	ssettag $0x1  }
0x1: {  	s1 =	srdreg.scid;
	s6 =	rddreg [dreg:$0x0]  }
0x2: {  	s0 =	stileid.u32;
	s2 =	rddreg [dreg:$0x1]  }
0x3: {  	s7 =	rddreg [dreg:$0x2];
	s3 =	simm.s32 $0x0;
	s5 =	sand.u32 $0x1, s1  }
0x4: {  	s4 =	simm.s32 $0x1;
	[smem:$0x7FF] =	sst s3;
	s1 =	sor.u32 s5, s0  }
0x5: {  	p0 =	seq.s32 s5, $0x1;
	s10 =	ssub.s32 $0x2, s5;
	p1 =	seq.s32 s1, $0x0  }
0x6: {  	s12 =	sshll.u32 s5, $0xE;
	s31 =	sshll.u32 s5, $0x3;
	p0 =	por !p1, !p0  }
0x7: {  	s1 =	rddreg [dreg:$0x3];
	s11 =	sshrl.u32 s10, $0x1;
	p0 =	por !p0, !p0  }
0x8: {  	_ =	strace $0x80000047;
	s29 =	ssub.s32 s10, s11;
	s4 =	simm.s32 @!p0 $0x0  }
0x9: {  	s11 =	simm.s32 $0x8000;
	s8 =	ssub.s32 s0, s4;
	s4 =	simm.s32 $0x1  }
0xa: {  	s9 =	sshll.u32 s8, $0xB;
	s13 =	sshll.u32 s8, $0xA;
	s8 =	sshll.u32 s8, $0x7  }
0xb: {  	s9 =	sand.u32 $0x1FFFF800, s9;
	s30 =	sadd.s32 s12, s13;
	v1 =	vmov s8;
	s8 =	simm.s32 $0x4000  }
0xc: {  	v3 =	vlaneseq.u32;
	s12 =	simm.s32 $0x2;
	s13 =	simm.s32 $0x0;
	s6 =	sadd.s32 s9, s6  }
0xd: {  	v2 =	vimm.f32 $0.0e+00;
	v5 =	vimm.f32 $1.000000000e+00;
	v4 =	vand.u32 $0x7, v3;
	s10 =	sshrl.u32 s30, $0x3;
	s9 =	simm.s32 $0x4080;
	s5 =	sadd.s32 $0x400, s6  }
0xe: {  	v3 =	vshrl.u32 v3, $0x3;
	v0 =	vor.u32 s31, v4;
	v4 =	vmul.u32 $0x80, v4;
	s6 =	sadd.s32 s7, s10;
	s7 =	smax.u32 s29, $0x1;
	s10 =	simm.s32 $0x400  }
.LBB2_1:
0xf: {  	[tilespmem:s3], [sflag:$0x1] =	stream.linear.gather [hbm4b:s5+s3], $0x4000, $0x38;
	[tilespmem:$0x9480] =	vst v63  }
0x10: {  	s14 =	simm.s32 $0x0;
	s15 =	simm.s32 $0x1000  }
0x11: {  	[tilespmem:s8], [sflag:$0x1] =	stream.linear.gather [hbm4b:s2+s3], $0x80, $0x38;
	[tilespmem:$0x9480] =	vst v63  }
.LBB2_2:
0x12: {  	p0 =	sne.s32 s15, $0x14000;
	[tilespmem:s14+$0x4470] =	vst v2  }
0x13: {  	[tilespmem:s14+$0x4080] =	vst v2  }
0x14: {  	[tilespmem:s14+$0x4090] =	vst v2  }
0x15: {  	[tilespmem:s14+$0x40A0] =	vst v2  }
0x16: {  	[tilespmem:s14+$0x40B0] =	vst v2  }
0x17: {  	[tilespmem:s14+$0x40C0] =	vst v2  }
0x18: {  	[tilespmem:s14+$0x40D0] =	vst v2  }
0x19: {  	[tilespmem:s14+$0x40E0] =	vst v2  }
0x1a: {  	[tilespmem:s14+$0x40F0] =	vst v2  }
0x1b: {  	[tilespmem:s14+$0x4100] =	vst v2  }
0x1c: {  	[tilespmem:s14+$0x4110] =	vst v2  }
0x1d: {  	[tilespmem:s14+$0x4120] =	vst v2  }
0x1e: {  	[tilespmem:s14+$0x4130] =	vst v2  }
0x1f: {  	[tilespmem:s14+$0x4140] =	vst v2  }
0x20: {  	[tilespmem:s14+$0x4150] =	vst v2  }
0x21: {  	[tilespmem:s14+$0x4160] =	vst v2  }
0x22: {  	[tilespmem:s14+$0x4170] =	vst v2  }
0x23: {  	[tilespmem:s14+$0x4180] =	vst v2  }
0x24: {  	[tilespmem:s14+$0x4190] =	vst v2  }
0x25: {  	[tilespmem:s14+$0x41A0] =	vst v2  }
0x26: {  	[tilespmem:s14+$0x41B0] =	vst v2  }
0x27: {  	[tilespmem:s14+$0x41C0] =	vst v2  }
0x28: {  	[tilespmem:s14+$0x41D0] =	vst v2  }
0x29: {  	[tilespmem:s14+$0x41E0] =	vst v2  }
0x2a: {  	[tilespmem:s14+$0x41F0] =	vst v2  }
0x2b: {  	[tilespmem:s14+$0x4200] =	vst v2  }
0x2c: {  	[tilespmem:s14+$0x4210] =	vst v2  }
0x2d: {  	[tilespmem:s14+$0x4220] =	vst v2  }
0x2e: {  	[tilespmem:s14+$0x4230] =	vst v2  }
0x2f: {  	[tilespmem:s14+$0x4240] =	vst v2  }
0x30: {  	[tilespmem:s14+$0x4250] =	vst v2  }
0x31: {  	[tilespmem:s14+$0x4260] =	vst v2  }
0x32: {  	[tilespmem:s14+$0x4270] =	vst v2  }
0x33: {  	[tilespmem:s14+$0x4280] =	vst v2  }
0x34: {  	[tilespmem:s14+$0x4290] =	vst v2  }
0x35: {  	[tilespmem:s14+$0x42A0] =	vst v2  }
0x36: {  	[tilespmem:s14+$0x42B0] =	vst v2  }
0x37: {  	[tilespmem:s14+$0x42C0] =	vst v2  }
0x38: {  	[tilespmem:s14+$0x42D0] =	vst v2  }
0x39: {  	[tilespmem:s14+$0x42E0] =	vst v2  }
0x3a: {  	[tilespmem:s14+$0x42F0] =	vst v2  }
0x3b: {  	[tilespmem:s14+$0x4300] =	vst v2  }
0x3c: {  	[tilespmem:s14+$0x4310] =	vst v2  }
0x3d: {  	[tilespmem:s14+$0x4320] =	vst v2  }
0x3e: {  	[tilespmem:s14+$0x4330] =	vst v2  }
0x3f: {  	[tilespmem:s14+$0x4340] =	vst v2  }
0x40: {  	[tilespmem:s14+$0x4350] =	vst v2  }
0x41: {  	[tilespmem:s14+$0x4360] =	vst v2  }
0x42: {  	[tilespmem:s14+$0x4370] =	vst v2  }
0x43: {  	[tilespmem:s14+$0x4380] =	vst v2  }
0x44: {  	[tilespmem:s14+$0x4390] =	vst v2  }
0x45: {  	[tilespmem:s14+$0x43A0] =	vst v2  }
0x46: {  	[tilespmem:s14+$0x43B0] =	vst v2  }
0x47: {  	[tilespmem:s14+$0x43C0] =	vst v2  }
0x48: {  	[tilespmem:s14+$0x43D0] =	vst v2  }
0x49: {  	[tilespmem:s14+$0x43E0] =	vst v2  }
0x4a: {  	[tilespmem:s14+$0x43F0] =	vst v2  }
0x4b: {  	[tilespmem:s14+$0x4400] =	vst v2  }
0x4c: {  	[tilespmem:s14+$0x4410] =	vst v2  }
.Ltmp0:
0x4d: {  	[tilespmem:s14+$0x4420] =	vst v2;
	(pc) =	sbr.rel @p0 .LBB2_2-.Ltmp0, $4  }
0x4e: {  	[tilespmem:s14+$0x4430] =	vst v2  }
0x4f: {  	[tilespmem:s14+$0x4440] =	vst v2  }
0x50: {  	[tilespmem:s14+$0x4450] =	vst v2  }
0x51: {  	[tilespmem:s14+$0x4460] =	vst v2;
	s14 =	sshra.s32 s15, $0x2;
	s15 =	sadd.s32 $0x1000, s15  }
0x52: {  	[tilespmem:s14+$0x4470] =	vst v2  }
0x53: {  	[tilespmem:s14+$0x4080] =	vst v2  }
0x54: {  	[tilespmem:s14+$0x4090] =	vst v2  }
0x55: {  	[tilespmem:s14+$0x40A0] =	vst v2  }
0x56: {  	[tilespmem:s14+$0x40B0] =	vst v2  }
0x57: {  	[tilespmem:s14+$0x40C0] =	vst v2  }
0x58: {  	[tilespmem:s14+$0x40D0] =	vst v2  }
0x59: {  	[tilespmem:s14+$0x40E0] =	vst v2  }
0x5a: {  	[tilespmem:s14+$0x40F0] =	vst v2  }
0x5b: {  	[tilespmem:s14+$0x4100] =	vst v2  }
0x5c: {  	[tilespmem:s14+$0x4110] =	vst v2  }
0x5d: {  	[tilespmem:s14+$0x4120] =	vst v2  }
0x5e: {  	[tilespmem:s14+$0x4130] =	vst v2  }
0x5f: {  	[tilespmem:s14+$0x4140] =	vst v2  }
0x60: {  	[tilespmem:s14+$0x4150] =	vst v2  }
0x61: {  	[tilespmem:s14+$0x4160] =	vst v2  }
0x62: {  	[tilespmem:s14+$0x4170] =	vst v2  }
0x63: {  	[tilespmem:s14+$0x4180] =	vst v2  }
0x64: {  	[tilespmem:s14+$0x4190] =	vst v2  }
0x65: {  	[tilespmem:s14+$0x41A0] =	vst v2  }
0x66: {  	[tilespmem:s14+$0x41B0] =	vst v2  }
0x67: {  	[tilespmem:s14+$0x41C0] =	vst v2  }
0x68: {  	[tilespmem:s14+$0x41D0] =	vst v2  }
0x69: {  	[tilespmem:s14+$0x41E0] =	vst v2  }
0x6a: {  	[tilespmem:s14+$0x41F0] =	vst v2  }
0x6b: {  	[tilespmem:s14+$0x4200] =	vst v2  }
0x6c: {  	[tilespmem:s14+$0x4210] =	vst v2  }
0x6d: {  	[tilespmem:s14+$0x4220] =	vst v2  }
0x6e: {  	[tilespmem:s14+$0x4230] =	vst v2  }
0x6f: {  	[tilespmem:s14+$0x4240] =	vst v2  }
0x70: {  	[tilespmem:s14+$0x4250] =	vst v2  }
0x71: {  	[tilespmem:s14+$0x4260] =	vst v2  }
0x72: {  	[tilespmem:s14+$0x4270] =	vst v2  }
0x73: {  	[tilespmem:s14+$0x4280] =	vst v2  }
0x74: {  	[tilespmem:s14+$0x4290] =	vst v2  }
0x75: {  	[tilespmem:s14+$0x42A0] =	vst v2  }
0x76: {  	[tilespmem:s14+$0x42B0] =	vst v2  }
0x77: {  	[tilespmem:s14+$0x42C0] =	vst v2  }
0x78: {  	[tilespmem:s14+$0x42D0] =	vst v2  }
0x79: {  	[tilespmem:s14+$0x42E0] =	vst v2  }
0x7a: {  	[tilespmem:s14+$0x42F0] =	vst v2  }
0x7b: {  	[tilespmem:s14+$0x4300] =	vst v2  }
0x7c: {  	[tilespmem:s14+$0x4310] =	vst v2  }
0x7d: {  	[tilespmem:s14+$0x4320] =	vst v2  }
0x7e: {  	[tilespmem:s14+$0x4330] =	vst v2  }
0x7f: {  	[tilespmem:s14+$0x4340] =	vst v2  }
0x80: {  	[tilespmem:s14+$0x4350] =	vst v2  }
0x81: {  	[tilespmem:s14+$0x4360] =	vst v2  }
0x82: {  	[tilespmem:s14+$0x4370] =	vst v2  }
0x83: {  	[tilespmem:s14+$0x4380] =	vst v2  }
0x84: {  	[tilespmem:s14+$0x4390] =	vst v2  }
0x85: {  	[tilespmem:s14+$0x43A0] =	vst v2  }
0x86: {  	[tilespmem:s14+$0x43B0] =	vst v2  }
0x87: {  	[tilespmem:s14+$0x43C0] =	vst v2  }
0x88: {  	[tilespmem:s14+$0x43D0] =	vst v2  }
0x89: {  	[tilespmem:s14+$0x43E0] =	vst v2  }
0x8a: {  	[tilespmem:s14+$0x43F0] =	vst v2  }
0x8b: {  	[tilespmem:s14+$0x4400] =	vst v2  }
0x8c: {  	[tilespmem:s14+$0x4410] =	vst v2  }
0x8d: {  	[tilespmem:s14+$0x4420] =	vst v2  }
0x8e: {  	[tilespmem:s14+$0x4430] =	vst v2  }
0x8f: {  	[tilespmem:s14+$0x4440] =	vst v2  }
0x90: {  	[tilespmem:s14+$0x4450] =	vst v2;
	s15 =	simm.s32 $0x0  }
0x91: {  	[tilespmem:s14+$0x4460] =	vst v2;
	v7 =	vor.u32 s15, v3  }
0x92: {  	_ =	swait.ge [sflag:s4], $0x4000;
	v6 =	vshll.u32 v7, $0x7  }
0x93: {  	[sflag:s4] =	ssyncset.done $0x0;
	v6 =	vor.u32 v0, v6  }
0x94: {  	[sflag:s4] =	ssyncadd.s32 $0xFFFFC000  }
0x95: {  	_ =	swait.ge [sflag:s4], $0x80  }
0x96: {  	[sflag:s4] =	ssyncset.done $0x0  }
0x97: {  	[sflag:s4] =	ssyncadd.s32 $0xFFFFFF80  }
0x98: {  	v8 =	vld.idx.msk [tilespmem:v6+s3+$0x0], $0xffff  }
0x99: {  	v6 =	vld.idx.msk [tilespmem:v0+s8+$0x0], $0xffff;
	_ =	sdelay $0x3  }
0x9a: {  	s31 =	simm.s32 $0x2;
	v9 =	vor.u32 v1, v7;
	v8 =	vshll.u32 v8, $0xA  }
0x9b: {  	vm0 =	vlt.s32 v9, v6;
	v7 =	vadd.s32 v8, v7;
	v8 =	vor.u32 s31, v3  }
0x9c: {  	v7 =	vadd.s32 v4, v7;
	v9 =	vshll.u32 v8, $0x7  }
0x9d: {  	v9 =	vor.u32 v0, v9;
	_ =	sdelay $0x3  }
0x9e: {  	[tilespmem:v7+s9+$0x0] =	vst.idx.msk vm0, v5  }
0x9f: {  	v7 =	vld.idx.msk [tilespmem:v9+s3+$0x0], $0xffff;
	_ =	sdelay $0x4  }
0xa0: {  	s14 =	simm.s32 $0x4;
	v9 =	vor.u32 v1, v8;
	v10 =	vshll.u32 v7, $0xA  }
0xa1: {  	vm0 =	vlt.s32 v9, v6;
	v7 =	vor.u32 s14, v3;
	v9 =	vadd.s32 v10, v8  }
0xa2: {  	v11 =	vshll.u32 v7, $0x7;
	v10 =	vadd.s32 v4, v9  }
0xa3: {  	s15 =	simm.s32 $0x8;
	v8 =	vor.u32 v1, v7;
	v9 =	vor.u32 v0, v11  }
.LBB2_4:
0xa4: {  	_ =	sdelay $0x2  }
0xa5: {  	p0 =	sne.s32 s15, $0x7C;
	[tilespmem:v10+s9+$0x0] =	vst.idx.msk vm0, v5;
	s16 =	smov.u32 s15;
	s15 =	sadd.s32 $0x4, s15  }
0xa6: {  	v9 =	vld.idx.msk [tilespmem:v9+s3+$0x0], $0xffff;
	_ =	sdelay $0x5  }
0xa7: {  	s17 =	sadd.s32 $0x2, s14;
	s14 =	smov.u32 s16;
	v9 =	vshll.u32 v9, $0xA  }
0xa8: {  	vm0 =	vlt.s32 v8, v6;
	v8 =	vor.u32 s17, v3;
	v7 =	vadd.s32 v9, v7  }
0xa9: {  	v10 =	vor.u32 v1, v8;
	v9 =	vshll.u32 v8, $0x7;
	v7 =	vadd.s32 v4, v7  }
0xaa: {  	v9 =	vor.u32 v0, v9;
	_ =	sdelay $0x3  }
0xab: {  	[tilespmem:v7+s9+$0x0] =	vst.idx.msk vm0, v5  }
0xac: {  	v7 =	vld.idx.msk [tilespmem:v9+s3+$0x0], $0xffff;
	_ =	sdelay $0x4  }
.Ltmp1:
0xad: {  	(pc) =	sbr.rel @p0 .LBB2_4-.Ltmp1, $4  }
0xae: {  	v9 =	vshll.u32 v7, $0xA  }
0xaf: {  	vm0 =	vlt.s32 v10, v6;
	v7 =	vor.u32 s14, v3;
	v9 =	vadd.s32 v9, v8  }
0xb0: {  	v11 =	vshll.u32 v7, $0x7;
	v8 =	vor.u32 v1, v7;
	v10 =	vadd.s32 v4, v9  }
0xb1: {  	v9 =	vor.u32 v0, v11  }
0xb2: {  	_ =	sdelay $0x4  }
0xb3: {  	[tilespmem:v10+s9+$0x0] =	vst.idx.msk vm0, v5  }
0xb4: {  	v9 =	vld.idx.msk [tilespmem:v9+s3+$0x0], $0xffff;
	_ =	sdelay $0x4  }
0xb5: {  	s14 =	sadd.s32 $0x2, s14;
	v9 =	vshll.u32 v9, $0xA  }
0xb6: {  	vm14 =	vlt.s32 v8, v6;
	v61 =	vor.u32 s14, v3;
	v7 =	vadd.s32 v9, v7  }
0xb7: {  	v62 =	vshll.u32 v61, $0x7;
	v7 =	vadd.s32 v4, v7  }
0xb8: {  	v9 =	vor.u32 v0, v62;
	_ =	sdelay $0x3  }
0xb9: {  	[tilespmem:v7+s9+$0x0] =	vst.idx.msk vm14, v5  }
0xba: {  	v7 =	vld.idx.msk [tilespmem:v9+s3+$0x0], $0xffff;
	_ =	sdelay $0x4  }
0xbb: {  	v63 =	vor.u32 v1, v61;
	v7 =	vshll.u32 v7, $0xA  }
0xbc: {  	vm15 =	vlt.s32 v63, v6;
	v6 =	vadd.s32 v7, v61  }
0xbd: {  	v6 =	vadd.s32 v4, v6;
	_ =	sdelay $0x2  }
0xbe: {  	s13 =	sadd.s32 $0x1, s13  }
0xbf: {  	p0 =	sne.s32 s13, s7  }
.Ltmp2:
0xc0: {  	[tilespmem:v6+s9+$0x0] =	vst.idx.msk vm15, v5;
	(pc) =	sbr.rel @p0 .LBB2_1-.Ltmp2, $4  }
0xc1: {  	[hbm4b:s6+s10] =	stream.strided.scatter [tilespmem:s9], [sflag:$0x2], $0x5400, s11, s10, $0x38;
	[tilespmem:$0x9480] =	vst v63  }
0xc2: {  	_ =	swait.ge [sflag:s12], $0x5400  }
0xc3: {  	[sflag:s12] =	ssyncset.done $0x0  }
0xc4: {  	[sflag:s12] =	ssyncadd.s32 $0xFFFFAC00  }
0xc5: {  	_ =	sfence.sel $0x180000  }
0xc6: {  	[bflag:$0x0] =	sbarrier.arrive $0xFFFF  }
0xc7: {  	p0 =	sne.s32 s0, $0x0;
	_ =	strace $0x90000047  }
0xc8: {  	s0 =	sadd.s32 @!p0 $0x100000, s1;
	[bflag:$0x2] =	sbarrier.arrive $0xFFFF  }
0xc9: {  	[sflag:s0] =	ssyncadd.tile.s32 @!p0 $0x1;
	_ =	shalt  }
.Lfunc_end2:
_tile_overlayer_lowered:
.L_overlay_start_2:
0xca: {  	(tag) =	ssettag $0x2  }
0xcb: {  	s0 =	rddreg [dreg:$0x0];
	s2 =	stileid.u32  }
0xcc: {  	s1 =	rddreg [dreg:$0x1];
	p0 =	sne.s32 s2, $0x0  }
0xcd: {  	s3 =	rddreg [dreg:$0x2];
	[bflag:$0x3] =	sbarrier.arrive $0xFFFF;
	s2 =	simm.s32 @!p0 $0x1C02  }
0xce: {  	[timem:s3], [sflag:s2] =	dma.local @!p0 [hbm:s0], s1  }
0xcf: {  	s0 =	simm.s32 @!p0 $0x2  }
0xd0: {  	_ =	swait.ge @!p0 [sflag:s0], s1  }
0xd1: {  	s1 =	ssub.s32 @!p0 $0x0, s1;
	[sflag:s0] =	ssyncset.done @!p0 $0x0  }
0xd2: {  	[sflag:s0] =	ssyncadd.s32 @!p0 s1  }
0xd3: {  	[bflag:$0x3] =	sbarrier.arrive $0xFFFF  }
0xd4: {  	_ =	shalt  }

</sc_bundles>
